<compile_context>
chip_gen: v7x
topology: tpu7x:2x2x1
jax: 0.10.2.dev20260603
libtpu: 0.0.44.dev20260713+nightly
codegen_flags: <defaults>
</compile_context>

<pallas_src>
import functools

import jax
import jax.numpy as jnp
from jax import lax
from jax.experimental import pallas as pl
from jax.experimental.pallas import tpu as pltpu
from jax.experimental.pallas import tpu_sc as plsc

_B = 16384
_C = 1000
_NC = 2
_NS = 16
_NW = _NC * _NS
_ROWS_PER_W = _B // _NW
_CHUNK = 32
_NBUF = 4
_NCHUNKS = _ROWS_PER_W // _CHUNK
_BUF = _CHUNK * _C


def _onehot_body(ids_hbm, out_hbm, b0, b1, b2, b3, ids_v, s0, s1, s2, s3):
    bufs = [b0, b1, b2, b3]
    sems = [s0, s1, s2, s3]
    c = lax.axis_index("c")
    s = lax.axis_index("s")
    wid = c * _NS + s
    row0 = wid * _ROWS_PER_W

    pltpu.sync_copy(ids_hbm.at[pl.ds(row0 * 1, _ROWS_PER_W)], ids_v)

    zeros16 = jnp.zeros((16,), jnp.float32)
    ones16 = jnp.ones((16,), jnp.float32)
    iota16 = lax.iota(jnp.int32, 16)

    for buf in bufs:
        def zero_body(i, carry, buf=buf):
            base = i * 128
            for u in range(8):
                buf[pl.ds(base + u * 16, 16)] = zeros16
            return carry

        lax.fori_loop(0, _BUF // 128, zero_body, 0)

    def flat_idx(k, g):
        ids16 = ids_v[pl.ds(k * _CHUNK + g * 16, 16)]
        in_vocab = (ids16 >= 0) & (ids16 < _C)
        mapped = jnp.where(in_vocab, ids16, _C - 1)
        return (g * 16 + iota16) * _C + mapped

    inflight = [None] * _NBUF
    for k in range(_NCHUNKS):
        b = k % _NBUF
        if inflight[b] is not None:
            inflight[b].wait()
            for g in range(_CHUNK // 16):
                plsc.store_scatter(bufs[b], [flat_idx(k - _NBUF, g)], zeros16)
        for g in range(_CHUNK // 16):
            plsc.store_scatter(bufs[b], [flat_idx(k, g)], ones16)
        inflight[b] = pltpu.async_copy(
            bufs[b], out_hbm.at[pl.ds((row0 + k * _CHUNK) * _C, _BUF)], sems[b]
        )
    for b in range(_NBUF):
        if inflight[b] is not None:
            inflight[b].wait()


def kernel(user_ids):
    ids = user_ids.astype(jnp.int32)
    mesh = plsc.VectorSubcoreMesh(core_axis_name="c", subcore_axis_name="s")
    run = functools.partial(
        pl.kernel,
        mesh=mesh,
        out_type=jax.ShapeDtypeStruct((_B * _C,), jnp.float32),
        scratch_types=[
            pltpu.VMEM((_BUF,), jnp.float32),
            pltpu.VMEM((_BUF,), jnp.float32),
            pltpu.VMEM((_BUF,), jnp.float32),
            pltpu.VMEM((_BUF,), jnp.float32),
            pltpu.VMEM((_ROWS_PER_W,), jnp.int32),
            pltpu.SemaphoreType.DMA,
            pltpu.SemaphoreType.DMA,
            pltpu.SemaphoreType.DMA,
            pltpu.SemaphoreType.DMA,
        ],
        compiler_params=pltpu.CompilerParams(needs_layout_passes=False),
    )(_onehot_body)
    out = run(ids)
    return out.reshape(_B, _C)

# --- scband reference (transcript-rebuilt; emitter-appended) ---
"""Pipeline reference for scband-one-hot-encoder-12876311953979 (READ-ONLY COPY).

The authoritative reference and input builder live on the scoring server;
editing this copy changes nothing except your own understanding.
"""

import jax, jax.numpy as jnp
import numpy as np

NUM_USERS = 1000
PADDING = 0
NUM_CLASSES = NUM_USERS + PADDING
BATCH = 16384


def setup_inputs(seed: int = 0) -> dict:
    key = jax.random.key(seed)
    user_ids = jax.random.randint(key, (BATCH,), 0, NUM_USERS, dtype=jnp.int64 if jax.config.jax_enable_x64 else jnp.int32)
    return {"user_ids": user_ids}


def reference(user_ids):
    # mapping is identity over range(NUM_USERS); unknown ids map to NUM_USERS + PADDING - 1
    in_vocab = (user_ids >= 0) & (user_ids < NUM_USERS)
    mapped = jnp.where(in_vocab, user_ids, NUM_USERS + PADDING - 1)
    # one_hot: scatter-overwrite pattern -> [B, NUM_CLASSES] float32
    one_hot = jax.nn.one_hot(mapped, NUM_CLASSES, dtype=jnp.float32)
    return one_hot

if __name__ == "__main__":
    import jax
    _d = setup_inputs()
    print(jax.jit(kernel)(*tuple(_d.values())))

</pallas_src>

<mosaic_0001>
#map = affine_map<(d0, d1) -> (0)>
module attributes {stable_mosaic.version = 14 : i64} {
  func.func @_onehot_body(%arg0: i32, %arg1: i32, %arg2: memref<16384xi32, #tpu.memory_space<hbm>>, %arg3: memref<16384000xf32, #tpu.memory_space<hbm>>, %arg4: memref<32000xf32, #tpu.memory_space<vmem>>, %arg5: memref<32000xf32, #tpu.memory_space<vmem>>, %arg6: memref<32000xf32, #tpu.memory_space<vmem>>, %arg7: memref<32000xf32, #tpu.memory_space<vmem>>, %arg8: memref<512xi32, #tpu.memory_space<vmem>>, %arg9: memref<!tpu.dma_semaphore, #tpu.memory_space<semaphore_mem>>, %arg10: memref<!tpu.dma_semaphore, #tpu.memory_space<semaphore_mem>>, %arg11: memref<!tpu.dma_semaphore, #tpu.memory_space<semaphore_mem>>, %arg12: memref<!tpu.dma_semaphore, #tpu.memory_space<semaphore_mem>>) attributes {dimension_semantics = [#tpu.dimension_semantics<core_parallel>, #tpu.dimension_semantics<subcore_parallel>], iteration_bounds = array<i64: 2, 16>, scalar_prefetch = 0 : i64, scratch_operands = 9 : i64, tpu.core_type = #tpu.core_type<sc_vector_subcore>, window_params = [{transform_indices = #map}, {transform_indices = #map}]} {
    %mul3A = arith.constant 16 : i32
    %mul3A_0 = arith.muli %arg0, %mul3A : i32
    %add3A = arith.addi %mul3A_0, %arg1 : i32
    %mul3A_1 = arith.constant 512 : i32
    %mul3A_2 = arith.muli %add3A, %mul3A_1 : i32
    %mul3A_3 = arith.constant 1 : i32
    %mul3A_4 = arith.muli %mul3A_2, %mul3A_3 : i32
    "tpu.region"() ({
      %run_scoped3A = tpu.sem_alloc : memref<!tpu.dma_semaphore, #tpu.memory_space<semaphore_mem>>
      %dma_start3A_1215 = tpu.memref_slice %arg2[%mul3A_4] : memref<16384xi32, #tpu.memory_space<hbm>> -> memref<512xi32, #tpu.memory_space<hbm>>
      %dma_start3A_1216 = tpu.memref_slice %arg2[%mul3A_4] : memref<16384xi32, #tpu.memory_space<hbm>> -> memref<512xi32, #tpu.memory_space<hbm>>
      tpu.enqueue_dma source(%dma_start3A_1216 : memref<512xi32, #tpu.memory_space<hbm>>) target(%arg8 : memref<512xi32, #tpu.memory_space<vmem>>) target_semaphore(%run_scoped3A : memref<!tpu.dma_semaphore, #tpu.memory_space<semaphore_mem>>)
      %dma_wait3A_1217 = tpu.memref_slice %arg2[%mul3A_4] : memref<16384xi32, #tpu.memory_space<hbm>> -> memref<512xi32, #tpu.memory_space<hbm>>
      %dma_wait3A_1218 = tpu.memref_slice %arg2[%mul3A_4] : memref<16384xi32, #tpu.memory_space<hbm>> -> memref<512xi32, #tpu.memory_space<hbm>>
      tpu.wait_dma2 semaphore(%run_scoped3A : memref<!tpu.dma_semaphore, #tpu.memory_space<semaphore_mem>>) src(%dma_wait3A_1218 : memref<512xi32, #tpu.memory_space<hbm>>) dst(%arg8 : memref<512xi32, #tpu.memory_space<vmem>>)
      tpu.yield
    }) : () -> ()
    %broadcast_in_dim3A = arith.constant 0.000000e+00 : f32
    %broadcast_in_dim3A_5 = vector.broadcast %broadcast_in_dim3A : f32 to vector<16xf32>
    %broadcast_in_dim3A_6 = arith.constant 1.000000e+00 : f32
    %broadcast_in_dim3A_7 = vector.broadcast %broadcast_in_dim3A_6 : f32 to vector<16xf32>
    %iota3A = tpu.iota {dimensions = array<i32: 0>} : vector<16xi32>
    %scan3A = arith.constant 0 : i32
    %scan3A_8 = arith.constant 0 : i32
    %scan3A_9 = arith.constant 250 : i32
    %scan3A_10 = arith.addi %scan3A_8, %scan3A_9 : i32
    %scan3A_11 = arith.constant 1 : i32
    scf.for %scan3A_1215 = %scan3A_8 to %scan3A_10 step %scan3A_11  : i32 {
      %mul3A_1216 = arith.constant 128 : i32
      %mul3A_1217 = arith.muli %scan3A_1215, %mul3A_1216 : i32
      %add3A_1218 = arith.constant 0 : i32
      %add3A_1219 = arith.addi %mul3A_1217, %add3A_1218 : i32
      %swap3A = arith.index_cast %add3A_1219 : i32 to index
      %swap3A_1220 = tpu.vector_load %arg4[%swap3A] {strides = array<i32>} : memref<32000xf32, #tpu.memory_space<vmem>>, vector<16xf32>,
      tpu.vector_store %arg4[%swap3A], %broadcast_in_dim3A_5 {strides = array<i32>} : memref<32000xf32, #tpu.memory_space<vmem>>, vector<16xf32>,
      %add3A_1221 = arith.constant 16 : i32
      %add3A_1222 = arith.addi %mul3A_1217, %add3A_1221 : i32
      %swap3A_1223 = arith.index_cast %add3A_1222 : i32 to index
      %swap3A_1224 = tpu.vector_load %arg4[%swap3A_1223] {strides = array<i32>} : memref<32000xf32, #tpu.memory_space<vmem>>, vector<16xf32>,
      tpu.vector_store %arg4[%swap3A_1223], %broadcast_in_dim3A_5 {strides = array<i32>} : memref<32000xf32, #tpu.memory_space<vmem>>, vector<16xf32>,
      %add3A_1225 = arith.constant 32 : i32
      %add3A_1226 = arith.addi %mul3A_1217, %add3A_1225 : i32
      %swap3A_1227 = arith.index_cast %add3A_1226 : i32 to index
      %swap3A_1228 = tpu.vector_load %arg4[%swap3A_1227] {strides = array<i32>} : memref<32000xf32, #tpu.memory_space<vmem>>, vector<16xf32>,
      tpu.vector_store %arg4[%swap3A_1227], %broadcast_in_dim3A_5 {strides = array<i32>} : memref<32000xf32, #tpu.memory_space<vmem>>, vector<16xf32>,
      %add3A_1229 = arith.constant 48 : i32
      %add3A_1230 = arith.addi %mul3A_1217, %add3A_1229 : i32
      %swap3A_1231 = arith.index_cast %add3A_1230 : i32 to index
      %swap3A_1232 = tpu.vector_load %arg4[%swap3A_1231] {strides = array<i32>} : memref<32000xf32, #tpu.memory_space<vmem>>, vector<16xf32>,
      tpu.vector_store %arg4[%swap3A_1231], %broadcast_in_dim3A_5 {strides = array<i32>} : memref<32000xf32, #tpu.memory_space<vmem>>, vector<16xf32>,
      %add3A_1233 = arith.constant 64 : i32
      %add3A_1234 = arith.addi %mul3A_1217, %add3A_1233 : i32
      %swap3A_1235 = arith.index_cast %add3A_1234 : i32 to index
      %swap3A_1236 = tpu.vector_load %arg4[%swap3A_1235] {strides = array<i32>} : memref<32000xf32, #tpu.memory_space<vmem>>, vector<16xf32>,
      tpu.vector_store %arg4[%swap3A_1235], %broadcast_in_dim3A_5 {strides = array<i32>} : memref<32000xf32, #tpu.memory_space<vmem>>, vector<16xf32>,
      %add3A_1237 = arith.constant 80 : i32
      %add3A_1238 = arith.addi %mul3A_1217, %add3A_1237 : i32
      %swap3A_1239 = arith.index_cast %add3A_1238 : i32 to index
      %swap3A_1240 = tpu.vector_load %arg4[%swap3A_1239] {strides = array<i32>} : memref<32000xf32, #tpu.memory_space<vmem>>, vector<16xf32>,
      tpu.vector_store %arg4[%swap3A_1239], %broadcast_in_dim3A_5 {strides = array<i32>} : memref<32000xf32, #tpu.memory_space<vmem>>, vector<16xf32>,
      %add3A_1241 = arith.constant 96 : i32
      %add3A_1242 = arith.addi %mul3A_1217, %add3A_1241 : i32
      %swap3A_1243 = arith.index_cast %add3A_1242 : i32 to index
      %swap3A_1244 = tpu.vector_load %arg4[%swap3A_1243] {strides = array<i32>} : memref<32000xf32, #tpu.memory_space<vmem>>, vector<16xf32>,
      tpu.vector_store %arg4[%swap3A_1243], %broadcast_in_dim3A_5 {strides = array<i32>} : memref<32000xf32, #tpu.memory_space<vmem>>, vector<16xf32>,
      %add3A_1245 = arith.constant 112 : i32
      %add3A_1246 = arith.addi %mul3A_1217, %add3A_1245 : i32
      %swap3A_1247 = arith.index_cast %add3A_1246 : i32 to index
      %swap3A_1248 = tpu.vector_load %arg4[%swap3A_1247] {strides = array<i32>} : memref<32000xf32, #tpu.memory_space<vmem>>, vector<16xf32>,
      tpu.vector_store %arg4[%swap3A_1247], %broadcast_in_dim3A_5 {strides = array<i32>} : memref<32000xf32, #tpu.memory_space<vmem>>, vector<16xf32>,
    }
    %scan3A_12 = arith.constant 250 : i32
    %scan3A_13 = arith.constant 0 : i32
    %scan3A_14 = arith.constant 0 : i32
    %scan3A_15 = arith.constant 250 : i32
    %scan3A_16 = arith.addi %scan3A_14, %scan3A_15 : i32
    %scan3A_17 = arith.constant 1 : i32
    scf.for %scan3A_1215 = %scan3A_14 to %scan3A_16 step %scan3A_17  : i32 {
      %mul3A_1216 = arith.constant 128 : i32
      %mul3A_1217 = arith.muli %scan3A_1215, %mul3A_1216 : i32
      %add3A_1218 = arith.constant 0 : i32
      %add3A_1219 = arith.addi %mul3A_1217, %add3A_1218 : i32
      %swap3A = arith.index_cast %add3A_1219 : i32 to index
      %swap3A_1220 = tpu.vector_load %arg5[%swap3A] {strides = array<i32>} : memref<32000xf32, #tpu.memory_space<vmem>>, vector<16xf32>,
      tpu.vector_store %arg5[%swap3A], %broadcast_in_dim3A_5 {strides = array<i32>} : memref<32000xf32, #tpu.memory_space<vmem>>, vector<16xf32>,
      %add3A_1221 = arith.constant 16 : i32
      %add3A_1222 = arith.addi %mul3A_1217, %add3A_1221 : i32
      %swap3A_1223 = arith.index_cast %add3A_1222 : i32 to index
      %swap3A_1224 = tpu.vector_load %arg5[%swap3A_1223] {strides = array<i32>} : memref<32000xf32, #tpu.memory_space<vmem>>, vector<16xf32>,
      tpu.vector_store %arg5[%swap3A_1223], %broadcast_in_dim3A_5 {strides = array<i32>} : memref<32000xf32, #tpu.memory_space<vmem>>, vector<16xf32>,
      %add3A_1225 = arith.constant 32 : i32
      %add3A_1226 = arith.addi %mul3A_1217, %add3A_1225 : i32
      %swap3A_1227 = arith.index_cast %add3A_1226 : i32 to index
      %swap3A_1228 = tpu.vector_load %arg5[%swap3A_1227] {strides = array<i32>} : memref<32000xf32, #tpu.memory_space<vmem>>, vector<16xf32>,
      tpu.vector_store %arg5[%swap3A_1227], %broadcast_in_dim3A_5 {strides = array<i32>} : memref<32000xf32, #tpu.memory_space<vmem>>, vector<16xf32>,
      %add3A_1229 = arith.constant 48 : i32
      %add3A_1230 = arith.addi %mul3A_1217, %add3A_1229 : i32
      %swap3A_1231 = arith.index_cast %add3A_1230 : i32 to index
      %swap3A_1232 = tpu.vector_load %arg5[%swap3A_1231] {strides = array<i32>} : memref<32000xf32, #tpu.memory_space<vmem>>, vector<16xf32>,
      tpu.vector_store %arg5[%swap3A_1231], %broadcast_in_dim3A_5 {strides = array<i32>} : memref<32000xf32, #tpu.memory_space<vmem>>, vector<16xf32>,
      %add3A_1233 = arith.constant 64 : i32
      %add3A_1234 = arith.addi %mul3A_1217, %add3A_1233 : i32
      %swap3A_1235 = arith.index_cast %add3A_1234 : i32 to index
      %swap3A_1236 = tpu.vector_load %arg5[%swap3A_1235] {strides = array<i32>} : memref<32000xf32, #tpu.memory_space<vmem>>, vector<16xf32>,
      tpu.vector_store %arg5[%swap3A_1235], %broadcast_in_dim3A_5 {strides = array<i32>} : memref<32000xf32, #tpu.memory_space<vmem>>, vector<16xf32>,
      %add3A_1237 = arith.constant 80 : i32
      %add3A_1238 = arith.addi %mul3A_1217, %add3A_1237 : i32
      %swap3A_1239 = arith.index_cast %add3A_1238 : i32 to index
      %swap3A_1240 = tpu.vector_load %arg5[%swap3A_1239] {strides = array<i32>} : memref<32000xf32, #tpu.memory_space<vmem>>, vector<16xf32>,
      tpu.vector_store %arg5[%swap3A_1239], %broadcast_in_dim3A_5 {strides = array<i32>} : memref<32000xf32, #tpu.memory_space<vmem>>, vector<16xf32>,
      %add3A_1241 = arith.constant 96 : i32
      %add3A_1242 = arith.addi %mul3A_1217, %add3A_1241 : i32
      %swap3A_1243 = arith.index_cast %add3A_1242 : i32 to index
      %swap3A_1244 = tpu.vector_load %arg5[%swap3A_1243] {strides = array<i32>} : memref<32000xf32, #tpu.memory_space<vmem>>, vector<16xf32>,
      tpu.vector_store %arg5[%swap3A_1243], %broadcast_in_dim3A_5 {strides = array<i32>} : memref<32000xf32, #tpu.memory_space<vmem>>, vector<16xf32>,
      %add3A_1245 = arith.constant 112 : i32
      %add3A_1246 = arith.addi %mul3A_1217, %add3A_1245 : i32
      %swap3A_1247 = arith.index_cast %add3A_1246 : i32 to index
      %swap3A_1248 = tpu.vector_load %arg5[%swap3A_1247] {strides = array<i32>} : memref<32000xf32, #tpu.memory_space<vmem>>, vector<16xf32>,
      tpu.vector_store %arg5[%swap3A_1247], %broadcast_in_dim3A_5 {strides = array<i32>} : memref<32000xf32, #tpu.memory_space<vmem>>, vector<16xf32>,
    }
    %scan3A_18 = arith.constant 250 : i32
    %scan3A_19 = arith.constant 0 : i32
    %scan3A_20 = arith.constant 0 : i32
    %scan3A_21 = arith.constant 250 : i32
    %scan3A_22 = arith.addi %scan3A_20, %scan3A_21 : i32
    %scan3A_23 = arith.constant 1 : i32
    scf.for %scan3A_1215 = %scan3A_20 to %scan3A_22 step %scan3A_23  : i32 {
      %mul3A_1216 = arith.constant 128 : i32
      %mul3A_1217 = arith.muli %scan3A_1215, %mul3A_1216 : i32
      %add3A_1218 = arith.constant 0 : i32
      %add3A_1219 = arith.addi %mul3A_1217, %add3A_1218 : i32
      %swap3A = arith.index_cast %add3A_1219 : i32 to index
      %swap3A_1220 = tpu.vector_load %arg6[%swap3A] {strides = array<i32>} : memref<32000xf32, #tpu.memory_space<vmem>>, vector<16xf32>,
      tpu.vector_store %arg6[%swap3A], %broadcast_in_dim3A_5 {strides = array<i32>} : memref<32000xf32, #tpu.memory_space<vmem>>, vector<16xf32>,
      %add3A_1221 = arith.constant 16 : i32
      %add3A_1222 = arith.addi %mul3A_1217, %add3A_1221 : i32
      %swap3A_1223 = arith.index_cast %add3A_1222 : i32 to index
      %swap3A_1224 = tpu.vector_load %arg6[%swap3A_1223] {strides = array<i32>} : memref<32000xf32, #tpu.memory_space<vmem>>, vector<16xf32>,
      tpu.vector_store %arg6[%swap3A_1223], %broadcast_in_dim3A_5 {strides = array<i32>} : memref<32000xf32, #tpu.memory_space<vmem>>, vector<16xf32>,
      %add3A_1225 = arith.constant 32 : i32
      %add3A_1226 = arith.addi %mul3A_1217, %add3A_1225 : i32
      %swap3A_1227 = arith.index_cast %add3A_1226 : i32 to index
      %swap3A_1228 = tpu.vector_load %arg6[%swap3A_1227] {strides = array<i32>} : memref<32000xf32, #tpu.memory_space<vmem>>, vector<16xf32>,
      tpu.vector_store %arg6[%swap3A_1227], %broadcast_in_dim3A_5 {strides = array<i32>} : memref<32000xf32, #tpu.memory_space<vmem>>, vector<16xf32>,
      %add3A_1229 = arith.constant 48 : i32
      %add3A_1230 = arith.addi %mul3A_1217, %add3A_1229 : i32
      %swap3A_1231 = arith.index_cast %add3A_1230 : i32 to index
      %swap3A_1232 = tpu.vector_load %arg6[%swap3A_1231] {strides = array<i32>} : memref<32000xf32, #tpu.memory_space<vmem>>, vector<16xf32>,
      tpu.vector_store %arg6[%swap3A_1231], %broadcast_in_dim3A_5 {strides = array<i32>} : memref<32000xf32, #tpu.memory_space<vmem>>, vector<16xf32>,
      %add3A_1233 = arith.constant 64 : i32
      %add3A_1234 = arith.addi %mul3A_1217, %add3A_1233 : i32
      %swap3A_1235 = arith.index_cast %add3A_1234 : i32 to index
      %swap3A_1236 = tpu.vector_load %arg6[%swap3A_1235] {strides = array<i32>} : memref<32000xf32, #tpu.memory_space<vmem>>, vector<16xf32>,
      tpu.vector_store %arg6[%swap3A_1235], %broadcast_in_dim3A_5 {strides = array<i32>} : memref<32000xf32, #tpu.memory_space<vmem>>, vector<16xf32>,
      %add3A_1237 = arith.constant 80 : i32
      %add3A_1238 = arith.addi %mul3A_1217, %add3A_1237 : i32
      %swap3A_1239 = arith.index_cast %add3A_1238 : i32 to index
      %swap3A_1240 = tpu.vector_load %arg6[%swap3A_1239] {strides = array<i32>} : memref<32000xf32, #tpu.memory_space<vmem>>, vector<16xf32>,
      tpu.vector_store %arg6[%swap3A_1239], %broadcast_in_dim3A_5 {strides = array<i32>} : memref<32000xf32, #tpu.memory_space<vmem>>, vector<16xf32>,
      %add3A_1241 = arith.constant 96 : i32
      %add3A_1242 = arith.addi %mul3A_1217, %add3A_1241 : i32
      %swap3A_1243 = arith.index_cast %add3A_1242 : i32 to index
      %swap3A_1244 = tpu.vector_load %arg6[%swap3A_1243] {strides = array<i32>} : memref<32000xf32, #tpu.memory_space<vmem>>, vector<16xf32>,
      tpu.vector_store %arg6[%swap3A_1243], %broadcast_in_dim3A_5 {strides = array<i32>} : memref<32000xf32, #tpu.memory_space<vmem>>, vector<16xf32>,
      %add3A_1245 = arith.constant 112 : i32
      %add3A_1246 = arith.addi %mul3A_1217, %add3A_1245 : i32
      %swap3A_1247 = arith.index_cast %add3A_1246 : i32 to index
      %swap3A_1248 = tpu.vector_load %arg6[%swap3A_1247] {strides = array<i32>} : memref<32000xf32, #tpu.memory_space<vmem>>, vector<16xf32>,
      tpu.vector_store %arg6[%swap3A_1247], %broadcast_in_dim3A_5 {strides = array<i32>} : memref<32000xf32, #tpu.memory_space<vmem>>, vector<16xf32>,
    }
    %scan3A_24 = arith.constant 250 : i32
    %scan3A_25 = arith.constant 0 : i32
    %scan3A_26 = arith.constant 0 : i32
    %scan3A_27 = arith.constant 250 : i32
    %scan3A_28 = arith.addi %scan3A_26, %scan3A_27 : i32
    %scan3A_29 = arith.constant 1 : i32
    scf.for %scan3A_1215 = %scan3A_26 to %scan3A_28 step %scan3A_29  : i32 {
      %mul3A_1216 = arith.constant 128 : i32
      %mul3A_1217 = arith.muli %scan3A_1215, %mul3A_1216 : i32
      %add3A_1218 = arith.constant 0 : i32
      %add3A_1219 = arith.addi %mul3A_1217, %add3A_1218 : i32
      %swap3A = arith.index_cast %add3A_1219 : i32 to index
      %swap3A_1220 = tpu.vector_load %arg7[%swap3A] {strides = array<i32>} : memref<32000xf32, #tpu.memory_space<vmem>>, vector<16xf32>,
      tpu.vector_store %arg7[%swap3A], %broadcast_in_dim3A_5 {strides = array<i32>} : memref<32000xf32, #tpu.memory_space<vmem>>, vector<16xf32>,
      %add3A_1221 = arith.constant 16 : i32
      %add3A_1222 = arith.addi %mul3A_1217, %add3A_1221 : i32
      %swap3A_1223 = arith.index_cast %add3A_1222 : i32 to index
      %swap3A_1224 = tpu.vector_load %arg7[%swap3A_1223] {strides = array<i32>} : memref<32000xf32, #tpu.memory_space<vmem>>, vector<16xf32>,
      tpu.vector_store %arg7[%swap3A_1223], %broadcast_in_dim3A_5 {strides = array<i32>} : memref<32000xf32, #tpu.memory_space<vmem>>, vector<16xf32>,
      %add3A_1225 = arith.constant 32 : i32
      %add3A_1226 = arith.addi %mul3A_1217, %add3A_1225 : i32
      %swap3A_1227 = arith.index_cast %add3A_1226 : i32 to index
      %swap3A_1228 = tpu.vector_load %arg7[%swap3A_1227] {strides = array<i32>} : memref<32000xf32, #tpu.memory_space<vmem>>, vector<16xf32>,
      tpu.vector_store %arg7[%swap3A_1227], %broadcast_in_dim3A_5 {strides = array<i32>} : memref<32000xf32, #tpu.memory_space<vmem>>, vector<16xf32>,
      %add3A_1229 = arith.constant 48 : i32
      %add3A_1230 = arith.addi %mul3A_1217, %add3A_1229 : i32
      %swap3A_1231 = arith.index_cast %add3A_1230 : i32 to index
      %swap3A_1232 = tpu.vector_load %arg7[%swap3A_1231] {strides = array<i32>} : memref<32000xf32, #tpu.memory_space<vmem>>, vector<16xf32>,
      tpu.vector_store %arg7[%swap3A_1231], %broadcast_in_dim3A_5 {strides = array<i32>} : memref<32000xf32, #tpu.memory_space<vmem>>, vector<16xf32>,
      %add3A_1233 = arith.constant 64 : i32
      %add3A_1234 = arith.addi %mul3A_1217, %add3A_1233 : i32
      %swap3A_1235 = arith.index_cast %add3A_1234 : i32 to index
      %swap3A_1236 = tpu.vector_load %arg7[%swap3A_1235] {strides = array<i32>} : memref<32000xf32, #tpu.memory_space<vmem>>, vector<16xf32>,
      tpu.vector_store %arg7[%swap3A_1235], %broadcast_in_dim3A_5 {strides = array<i32>} : memref<32000xf32, #tpu.memory_space<vmem>>, vector<16xf32>,
      %add3A_1237 = arith.constant 80 : i32
      %add3A_1238 = arith.addi %mul3A_1217, %add3A_1237 : i32
      %swap3A_1239 = arith.index_cast %add3A_1238 : i32 to index
      %swap3A_1240 = tpu.vector_load %arg7[%swap3A_1239] {strides = array<i32>} : memref<32000xf32, #tpu.memory_space<vmem>>, vector<16xf32>,
      tpu.vector_store %arg7[%swap3A_1239], %broadcast_in_dim3A_5 {strides = array<i32>} : memref<32000xf32, #tpu.memory_space<vmem>>, vector<16xf32>,
      %add3A_1241 = arith.constant 96 : i32
      %add3A_1242 = arith.addi %mul3A_1217, %add3A_1241 : i32
      %swap3A_1243 = arith.index_cast %add3A_1242 : i32 to index
      %swap3A_1244 = tpu.vector_load %arg7[%swap3A_1243] {strides = array<i32>} : memref<32000xf32, #tpu.memory_space<vmem>>, vector<16xf32>,
      tpu.vector_store %arg7[%swap3A_1243], %broadcast_in_dim3A_5 {strides = array<i32>} : memref<32000xf32, #tpu.memory_space<vmem>>, vector<16xf32>,
      %add3A_1245 = arith.constant 112 : i32
      %add3A_1246 = arith.addi %mul3A_1217, %add3A_1245 : i32
      %swap3A_1247 = arith.index_cast %add3A_1246 : i32 to index
      %swap3A_1248 = tpu.vector_load %arg7[%swap3A_1247] {strides = array<i32>} : memref<32000xf32, #tpu.memory_space<vmem>>, vector<16xf32>,
      tpu.vector_store %arg7[%swap3A_1247], %broadcast_in_dim3A_5 {strides = array<i32>} : memref<32000xf32, #tpu.memory_space<vmem>>, vector<16xf32>,
    }
    %scan3A_30 = arith.constant 250 : i32
    %get3A = arith.constant 0 : index
    %get3A_31 = tpu.vector_load %arg8[%get3A] {strides = array<i32>} : memref<512xi32, #tpu.memory_space<vmem>>, vector<16xi32>,
    %ge3A = arith.constant 0 : i32
    %ge3A_32 = vector.broadcast %ge3A : i32 to vector<16xi32>
    %ge3A_33 = arith.cmpi sge, %get3A_31, %ge3A_32 : vector<16xi32>
    %lt3A = arith.constant 1000 : i32
    %lt3A_34 = vector.broadcast %lt3A : i32 to vector<16xi32>
    %lt3A_35 = arith.cmpi slt, %get3A_31, %lt3A_34 : vector<16xi32>
    %and3A = arith.andi %ge3A_33, %lt3A_35 : vector<16xi1>
    %jit3A = arith.constant 999 : i32
    %broadcast_in_dim3A_36 = vector.broadcast %jit3A : i32 to vector<16xi32>
    %select_n3A = arith.select %and3A, %get3A_31, %broadcast_in_dim3A_36 : vector<16xi1>, vector<16xi32>
    %add3A_37 = arith.constant 0 : i32
    %add3A_38 = vector.broadcast %add3A_37 : i32 to vector<16xi32>
    %add3A_39 = arith.addi %add3A_38, %iota3A : vector<16xi32>
    %mul3A_40 = arith.constant 1000 : i32
    %mul3A_41 = vector.broadcast %mul3A_40 : i32 to vector<16xi32>
    %mul3A_42 = arith.muli %add3A_39, %mul3A_41 : vector<16xi32>
    %add3A_43 = arith.addi %mul3A_42, %select_n3A : vector<16xi32>
    tpu.vector_store_idx %arg4[%add3A_43], %broadcast_in_dim3A_7 : memref<32000xf32, #tpu.memory_space<vmem>>[vector<16xi32>], vector<16xf32>,
    %get3A_44 = arith.constant 16 : index
    %get3A_45 = tpu.vector_load %arg8[%get3A_44] {strides = array<i32>} : memref<512xi32, #tpu.memory_space<vmem>>, vector<16xi32>,
    %ge3A_46 = arith.constant 0 : i32
    %ge3A_47 = vector.broadcast %ge3A_46 : i32 to vector<16xi32>
    %ge3A_48 = arith.cmpi sge, %get3A_45, %ge3A_47 : vector<16xi32>
    %lt3A_49 = arith.constant 1000 : i32
    %lt3A_50 = vector.broadcast %lt3A_49 : i32 to vector<16xi32>
    %lt3A_51 = arith.cmpi slt, %get3A_45, %lt3A_50 : vector<16xi32>
    %and3A_52 = arith.andi %ge3A_48, %lt3A_51 : vector<16xi1>
    %jit3A_53 = arith.constant 999 : i32
    %broadcast_in_dim3A_54 = vector.broadcast %jit3A_53 : i32 to vector<16xi32>
    %select_n3A_55 = arith.select %and3A_52, %get3A_45, %broadcast_in_dim3A_54 : vector<16xi1>, vector<16xi32>
    %add3A_56 = arith.constant 16 : i32
    %add3A_57 = vector.broadcast %add3A_56 : i32 to vector<16xi32>
    %add3A_58 = arith.addi %add3A_57, %iota3A : vector<16xi32>
    %mul3A_59 = arith.constant 1000 : i32
    %mul3A_60 = vector.broadcast %mul3A_59 : i32 to vector<16xi32>
    %mul3A_61 = arith.muli %add3A_58, %mul3A_60 : vector<16xi32>
    %add3A_62 = arith.addi %mul3A_61, %select_n3A_55 : vector<16xi32>
    tpu.vector_store_idx %arg4[%add3A_62], %broadcast_in_dim3A_7 : memref<32000xf32, #tpu.memory_space<vmem>>[vector<16xi32>], vector<16xf32>,
    %add3A_63 = arith.constant 0 : i32
    %add3A_64 = arith.addi %mul3A_2, %add3A_63 : i32
    %mul3A_65 = arith.constant 1000 : i32
    %mul3A_66 = arith.muli %add3A_64, %mul3A_65 : i32
    %dma_start3A = tpu.memref_slice %arg3[%mul3A_66] : memref<16384000xf32, #tpu.memory_space<hbm>> -> memref<32000xf32, #tpu.memory_space<hbm>>
    %dma_start3A_67 = tpu.memref_slice %arg3[%mul3A_66] : memref<16384000xf32, #tpu.memory_space<hbm>> -> memref<32000xf32, #tpu.memory_space<hbm>>
    tpu.enqueue_dma source(%arg4 : memref<32000xf32, #tpu.memory_space<vmem>>) target(%dma_start3A_67 : memref<32000xf32, #tpu.memory_space<hbm>>) target_semaphore(%arg9 : memref<!tpu.dma_semaphore, #tpu.memory_space<semaphore_mem>>)
    %get3A_68 = arith.constant 32 : index
    %get3A_69 = tpu.vector_load %arg8[%get3A_68] {strides = array<i32>} : memref<512xi32, #tpu.memory_space<vmem>>, vector<16xi32>,
    %ge3A_70 = arith.constant 0 : i32
    %ge3A_71 = vector.broadcast %ge3A_70 : i32 to vector<16xi32>
    %ge3A_72 = arith.cmpi sge, %get3A_69, %ge3A_71 : vector<16xi32>
    %lt3A_73 = arith.constant 1000 : i32
    %lt3A_74 = vector.broadcast %lt3A_73 : i32 to vector<16xi32>
    %lt3A_75 = arith.cmpi slt, %get3A_69, %lt3A_74 : vector<16xi32>
    %and3A_76 = arith.andi %ge3A_72, %lt3A_75 : vector<16xi1>
    %jit3A_77 = arith.constant 999 : i32
    %broadcast_in_dim3A_78 = vector.broadcast %jit3A_77 : i32 to vector<16xi32>
    %select_n3A_79 = arith.select %and3A_76, %get3A_69, %broadcast_in_dim3A_78 : vector<16xi1>, vector<16xi32>
    %add3A_80 = arith.constant 0 : i32
    %add3A_81 = vector.broadcast %add3A_80 : i32 to vector<16xi32>
    %add3A_82 = arith.addi %add3A_81, %iota3A : vector<16xi32>
    %mul3A_83 = arith.constant 1000 : i32
    %mul3A_84 = vector.broadcast %mul3A_83 : i32 to vector<16xi32>
    %mul3A_85 = arith.muli %add3A_82, %mul3A_84 : vector<16xi32>
    %add3A_86 = arith.addi %mul3A_85, %select_n3A_79 : vector<16xi32>
    tpu.vector_store_idx %arg5[%add3A_86], %broadcast_in_dim3A_7 : memref<32000xf32, #tpu.memory_space<vmem>>[vector<16xi32>], vector<16xf32>,
    %get3A_87 = arith.constant 48 : index
    %get3A_88 = tpu.vector_load %arg8[%get3A_87] {strides = array<i32>} : memref<512xi32, #tpu.memory_space<vmem>>, vector<16xi32>,
    %ge3A_89 = arith.constant 0 : i32
    %ge3A_90 = vector.broadcast %ge3A_89 : i32 to vector<16xi32>
    %ge3A_91 = arith.cmpi sge, %get3A_88, %ge3A_90 : vector<16xi32>
    %lt3A_92 = arith.constant 1000 : i32
    %lt3A_93 = vector.broadcast %lt3A_92 : i32 to vector<16xi32>
    %lt3A_94 = arith.cmpi slt, %get3A_88, %lt3A_93 : vector<16xi32>
    %and3A_95 = arith.andi %ge3A_91, %lt3A_94 : vector<16xi1>
    %jit3A_96 = arith.constant 999 : i32
    %broadcast_in_dim3A_97 = vector.broadcast %jit3A_96 : i32 to vector<16xi32>
    %select_n3A_98 = arith.select %and3A_95, %get3A_88, %broadcast_in_dim3A_97 : vector<16xi1>, vector<16xi32>
    %add3A_99 = arith.constant 16 : i32
    %add3A_100 = vector.broadcast %add3A_99 : i32 to vector<16xi32>
    %add3A_101 = arith.addi %add3A_100, %iota3A : vector<16xi32>
    %mul3A_102 = arith.constant 1000 : i32
    %mul3A_103 = vector.broadcast %mul3A_102 : i32 to vector<16xi32>
    %mul3A_104 = arith.muli %add3A_101, %mul3A_103 : vector<16xi32>
    %add3A_105 = arith.addi %mul3A_104, %select_n3A_98 : vector<16xi32>
    tpu.vector_store_idx %arg5[%add3A_105], %broadcast_in_dim3A_7 : memref<32000xf32, #tpu.memory_space<vmem>>[vector<16xi32>], vector<16xf32>,
    %add3A_106 = arith.constant 32 : i32
    %add3A_107 = arith.addi %mul3A_2, %add3A_106 : i32
    %mul3A_108 = arith.constant 1000 : i32
    %mul3A_109 = arith.muli %add3A_107, %mul3A_108 : i32
    %dma_start3A_110 = tpu.memref_slice %arg3[%mul3A_109] : memref<16384000xf32, #tpu.memory_space<hbm>> -> memref<32000xf32, #tpu.memory_space<hbm>>
    %dma_start3A_111 = tpu.memref_slice %arg3[%mul3A_109] : memref<16384000xf32, #tpu.memory_space<hbm>> -> memref<32000xf32, #tpu.memory_space<hbm>>
    tpu.enqueue_dma source(%arg5 : memref<32000xf32, #tpu.memory_space<vmem>>) target(%dma_start3A_111 : memref<32000xf32, #tpu.memory_space<hbm>>) target_semaphore(%arg10 : memref<!tpu.dma_semaphore, #tpu.memory_space<semaphore_mem>>)
    %get3A_112 = arith.constant 64 : index
    %get3A_113 = tpu.vector_load %arg8[%get3A_112] {strides = array<i32>} : memref<512xi32, #tpu.memory_space<vmem>>, vector<16xi32>,
    %ge3A_114 = arith.constant 0 : i32
    %ge3A_115 = vector.broadcast %ge3A_114 : i32 to vector<16xi32>
    %ge3A_116 = arith.cmpi sge, %get3A_113, %ge3A_115 : vector<16xi32>
    %lt3A_117 = arith.constant 1000 : i32
    %lt3A_118 = vector.broadcast %lt3A_117 : i32 to vector<16xi32>
    %lt3A_119 = arith.cmpi slt, %get3A_113, %lt3A_118 : vector<16xi32>
    %and3A_120 = arith.andi %ge3A_116, %lt3A_119 : vector<16xi1>
    %jit3A_121 = arith.constant 999 : i32
    %broadcast_in_dim3A_122 = vector.broadcast %jit3A_121 : i32 to vector<16xi32>
    %select_n3A_123 = arith.select %and3A_120, %get3A_113, %broadcast_in_dim3A_122 : vector<16xi1>, vector<16xi32>
    %add3A_124 = arith.constant 0 : i32
    %add3A_125 = vector.broadcast %add3A_124 : i32 to vector<16xi32>
    %add3A_126 = arith.addi %add3A_125, %iota3A : vector<16xi32>
    %mul3A_127 = arith.constant 1000 : i32
    %mul3A_128 = vector.broadcast %mul3A_127 : i32 to vector<16xi32>
    %mul3A_129 = arith.muli %add3A_126, %mul3A_128 : vector<16xi32>
    %add3A_130 = arith.addi %mul3A_129, %select_n3A_123 : vector<16xi32>
    tpu.vector_store_idx %arg6[%add3A_130], %broadcast_in_dim3A_7 : memref<32000xf32, #tpu.memory_space<vmem>>[vector<16xi32>], vector<16xf32>,
    %get3A_131 = arith.constant 80 : index
    %get3A_132 = tpu.vector_load %arg8[%get3A_131] {strides = array<i32>} : memref<512xi32, #tpu.memory_space<vmem>>, vector<16xi32>,
    %ge3A_133 = arith.constant 0 : i32
    %ge3A_134 = vector.broadcast %ge3A_133 : i32 to vector<16xi32>
    %ge3A_135 = arith.cmpi sge, %get3A_132, %ge3A_134 : vector<16xi32>
    %lt3A_136 = arith.constant 1000 : i32
    %lt3A_137 = vector.broadcast %lt3A_136 : i32 to vector<16xi32>
    %lt3A_138 = arith.cmpi slt, %get3A_132, %lt3A_137 : vector<16xi32>
    %and3A_139 = arith.andi %ge3A_135, %lt3A_138 : vector<16xi1>
    %jit3A_140 = arith.constant 999 : i32
    %broadcast_in_dim3A_141 = vector.broadcast %jit3A_140 : i32 to vector<16xi32>
    %select_n3A_142 = arith.select %and3A_139, %get3A_132, %broadcast_in_dim3A_141 : vector<16xi1>, vector<16xi32>
    %add3A_143 = arith.constant 16 : i32
    %add3A_144 = vector.broadcast %add3A_143 : i32 to vector<16xi32>
    %add3A_145 = arith.addi %add3A_144, %iota3A : vector<16xi32>
    %mul3A_146 = arith.constant 1000 : i32
    %mul3A_147 = vector.broadcast %mul3A_146 : i32 to vector<16xi32>
    %mul3A_148 = arith.muli %add3A_145, %mul3A_147 : vector<16xi32>
    %add3A_149 = arith.addi %mul3A_148, %select_n3A_142 : vector<16xi32>
    tpu.vector_store_idx %arg6[%add3A_149], %broadcast_in_dim3A_7 : memref<32000xf32, #tpu.memory_space<vmem>>[vector<16xi32>], vector<16xf32>,
    %add3A_150 = arith.constant 64 : i32
    %add3A_151 = arith.addi %mul3A_2, %add3A_150 : i32
    %mul3A_152 = arith.constant 1000 : i32
    %mul3A_153 = arith.muli %add3A_151, %mul3A_152 : i32
    %dma_start3A_154 = tpu.memref_slice %arg3[%mul3A_153] : memref<16384000xf32, #tpu.memory_space<hbm>> -> memref<32000xf32, #tpu.memory_space<hbm>>
    %dma_start3A_155 = tpu.memref_slice %arg3[%mul3A_153] : memref<16384000xf32, #tpu.memory_space<hbm>> -> memref<32000xf32, #tpu.memory_space<hbm>>
    tpu.enqueue_dma source(%arg6 : memref<32000xf32, #tpu.memory_space<vmem>>) target(%dma_start3A_155 : memref<32000xf32, #tpu.memory_space<hbm>>) target_semaphore(%arg11 : memref<!tpu.dma_semaphore, #tpu.memory_space<semaphore_mem>>)
    %get3A_156 = arith.constant 96 : index
    %get3A_157 = tpu.vector_load %arg8[%get3A_156] {strides = array<i32>} : memref<512xi32, #tpu.memory_space<vmem>>, vector<16xi32>,
    %ge3A_158 = arith.constant 0 : i32
    %ge3A_159 = vector.broadcast %ge3A_158 : i32 to vector<16xi32>
    %ge3A_160 = arith.cmpi sge, %get3A_157, %ge3A_159 : vector<16xi32>
    %lt3A_161 = arith.constant 1000 : i32
    %lt3A_162 = vector.broadcast %lt3A_161 : i32 to vector<16xi32>
    %lt3A_163 = arith.cmpi slt, %get3A_157, %lt3A_162 : vector<16xi32>
    %and3A_164 = arith.andi %ge3A_160, %lt3A_163 : vector<16xi1>
    %jit3A_165 = arith.constant 999 : i32
    %broadcast_in_dim3A_166 = vector.broadcast %jit3A_165 : i32 to vector<16xi32>
    %select_n3A_167 = arith.select %and3A_164, %get3A_157, %broadcast_in_dim3A_166 : vector<16xi1>, vector<16xi32>
    %add3A_168 = arith.constant 0 : i32
    %add3A_169 = vector.broadcast %add3A_168 : i32 to vector<16xi32>
    %add3A_170 = arith.addi %add3A_169, %iota3A : vector<16xi32>
    %mul3A_171 = arith.constant 1000 : i32
    %mul3A_172 = vector.broadcast %mul3A_171 : i32 to vector<16xi32>
    %mul3A_173 = arith.muli %add3A_170, %mul3A_172 : vector<16xi32>
    %add3A_174 = arith.addi %mul3A_173, %select_n3A_167 : vector<16xi32>
    tpu.vector_store_idx %arg7[%add3A_174], %broadcast_in_dim3A_7 : memref<32000xf32, #tpu.memory_space<vmem>>[vector<16xi32>], vector<16xf32>,
    %get3A_175 = arith.constant 112 : index
    %get3A_176 = tpu.vector_load %arg8[%get3A_175] {strides = array<i32>} : memref<512xi32, #tpu.memory_space<vmem>>, vector<16xi32>,
    %ge3A_177 = arith.constant 0 : i32
    %ge3A_178 = vector.broadcast %ge3A_177 : i32 to vector<16xi32>
    %ge3A_179 = arith.cmpi sge, %get3A_176, %ge3A_178 : vector<16xi32>
    %lt3A_180 = arith.constant 1000 : i32
    %lt3A_181 = vector.broadcast %lt3A_180 : i32 to vector<16xi32>
    %lt3A_182 = arith.cmpi slt, %get3A_176, %lt3A_181 : vector<16xi32>
    %and3A_183 = arith.andi %ge3A_179, %lt3A_182 : vector<16xi1>
    %jit3A_184 = arith.constant 999 : i32
    %broadcast_in_dim3A_185 = vector.broadcast %jit3A_184 : i32 to vector<16xi32>
    %select_n3A_186 = arith.select %and3A_183, %get3A_176, %broadcast_in_dim3A_185 : vector<16xi1>, vector<16xi32>
    %add3A_187 = arith.constant 16 : i32
    %add3A_188 = vector.broadcast %add3A_187 : i32 to vector<16xi32>
    %add3A_189 = arith.addi %add3A_188, %iota3A : vector<16xi32>
    %mul3A_190 = arith.constant 1000 : i32
    %mul3A_191 = vector.broadcast %mul3A_190 : i32 to vector<16xi32>
    %mul3A_192 = arith.muli %add3A_189, %mul3A_191 : vector<16xi32>
    %add3A_193 = arith.addi %mul3A_192, %select_n3A_186 : vector<16xi32>
    tpu.vector_store_idx %arg7[%add3A_193], %broadcast_in_dim3A_7 : memref<32000xf32, #tpu.memory_space<vmem>>[vector<16xi32>], vector<16xf32>,
    %add3A_194 = arith.constant 96 : i32
    %add3A_195 = arith.addi %mul3A_2, %add3A_194 : i32
    %mul3A_196 = arith.constant 1000 : i32
    %mul3A_197 = arith.muli %add3A_195, %mul3A_196 : i32
    %dma_start3A_198 = tpu.memref_slice %arg3[%mul3A_197] : memref<16384000xf32, #tpu.memory_space<hbm>> -> memref<32000xf32, #tpu.memory_space<hbm>>
    %dma_start3A_199 = tpu.memref_slice %arg3[%mul3A_197] : memref<16384000xf32, #tpu.memory_space<hbm>> -> memref<32000xf32, #tpu.memory_space<hbm>>
    tpu.enqueue_dma source(%arg7 : memref<32000xf32, #tpu.memory_space<vmem>>) target(%dma_start3A_199 : memref<32000xf32, #tpu.memory_space<hbm>>) target_semaphore(%arg12 : memref<!tpu.dma_semaphore, #tpu.memory_space<semaphore_mem>>)
    %dma_wait3A = tpu.memref_slice %arg3[%mul3A_66] : memref<16384000xf32, #tpu.memory_space<hbm>> -> memref<32000xf32, #tpu.memory_space<hbm>>
    %dma_wait3A_200 = tpu.memref_slice %arg3[%mul3A_66] : memref<16384000xf32, #tpu.memory_space<hbm>> -> memref<32000xf32, #tpu.memory_space<hbm>>
    tpu.wait_dma2 semaphore(%arg9 : memref<!tpu.dma_semaphore, #tpu.memory_space<semaphore_mem>>) src(%arg4 : memref<32000xf32, #tpu.memory_space<vmem>>) dst(%dma_wait3A_200 : memref<32000xf32, #tpu.memory_space<hbm>>)
    %get3A_201 = arith.constant 0 : index
    %get3A_202 = tpu.vector_load %arg8[%get3A_201] {strides = array<i32>} : memref<512xi32, #tpu.memory_space<vmem>>, vector<16xi32>,
    %ge3A_203 = arith.constant 0 : i32
    %ge3A_204 = vector.broadcast %ge3A_203 : i32 to vector<16xi32>
    %ge3A_205 = arith.cmpi sge, %get3A_202, %ge3A_204 : vector<16xi32>
    %lt3A_206 = arith.constant 1000 : i32
    %lt3A_207 = vector.broadcast %lt3A_206 : i32 to vector<16xi32>
    %lt3A_208 = arith.cmpi slt, %get3A_202, %lt3A_207 : vector<16xi32>
    %and3A_209 = arith.andi %ge3A_205, %lt3A_208 : vector<16xi1>
    %jit3A_210 = arith.constant 999 : i32
    %broadcast_in_dim3A_211 = vector.broadcast %jit3A_210 : i32 to vector<16xi32>
    %select_n3A_212 = arith.select %and3A_209, %get3A_202, %broadcast_in_dim3A_211 : vector<16xi1>, vector<16xi32>
    %add3A_213 = arith.constant 0 : i32
    %add3A_214 = vector.broadcast %add3A_213 : i32 to vector<16xi32>
    %add3A_215 = arith.addi %add3A_214, %iota3A : vector<16xi32>
    %mul3A_216 = arith.constant 1000 : i32
    %mul3A_217 = vector.broadcast %mul3A_216 : i32 to vector<16xi32>
    %mul3A_218 = arith.muli %add3A_215, %mul3A_217 : vector<16xi32>
    %add3A_219 = arith.addi %mul3A_218, %select_n3A_212 : vector<16xi32>
    tpu.vector_store_idx %arg4[%add3A_219], %broadcast_in_dim3A_5 : memref<32000xf32, #tpu.memory_space<vmem>>[vector<16xi32>], vector<16xf32>,
    %get3A_220 = arith.constant 16 : index
    %get3A_221 = tpu.vector_load %arg8[%get3A_220] {strides = array<i32>} : memref<512xi32, #tpu.memory_space<vmem>>, vector<16xi32>,
    %ge3A_222 = arith.constant 0 : i32
    %ge3A_223 = vector.broadcast %ge3A_222 : i32 to vector<16xi32>
    %ge3A_224 = arith.cmpi sge, %get3A_221, %ge3A_223 : vector<16xi32>
    %lt3A_225 = arith.constant 1000 : i32
    %lt3A_226 = vector.broadcast %lt3A_225 : i32 to vector<16xi32>
    %lt3A_227 = arith.cmpi slt, %get3A_221, %lt3A_226 : vector<16xi32>
    %and3A_228 = arith.andi %ge3A_224, %lt3A_227 : vector<16xi1>
    %jit3A_229 = arith.constant 999 : i32
    %broadcast_in_dim3A_230 = vector.broadcast %jit3A_229 : i32 to vector<16xi32>
    %select_n3A_231 = arith.select %and3A_228, %get3A_221, %broadcast_in_dim3A_230 : vector<16xi1>, vector<16xi32>
    %add3A_232 = arith.constant 16 : i32
    %add3A_233 = vector.broadcast %add3A_232 : i32 to vector<16xi32>
    %add3A_234 = arith.addi %add3A_233, %iota3A : vector<16xi32>
    %mul3A_235 = arith.constant 1000 : i32
    %mul3A_236 = vector.broadcast %mul3A_235 : i32 to vector<16xi32>
    %mul3A_237 = arith.muli %add3A_234, %mul3A_236 : vector<16xi32>
    %add3A_238 = arith.addi %mul3A_237, %select_n3A_231 : vector<16xi32>
    tpu.vector_store_idx %arg4[%add3A_238], %broadcast_in_dim3A_5 : memref<32000xf32, #tpu.memory_space<vmem>>[vector<16xi32>], vector<16xf32>,
    %get3A_239 = arith.constant 128 : index
    %get3A_240 = tpu.vector_load %arg8[%get3A_239] {strides = array<i32>} : memref<512xi32, #tpu.memory_space<vmem>>, vector<16xi32>,
    %ge3A_241 = arith.constant 0 : i32
    %ge3A_242 = vector.broadcast %ge3A_241 : i32 to vector<16xi32>
    %ge3A_243 = arith.cmpi sge, %get3A_240, %ge3A_242 : vector<16xi32>
    %lt3A_244 = arith.constant 1000 : i32
    %lt3A_245 = vector.broadcast %lt3A_244 : i32 to vector<16xi32>
    %lt3A_246 = arith.cmpi slt, %get3A_240, %lt3A_245 : vector<16xi32>
    %and3A_247 = arith.andi %ge3A_243, %lt3A_246 : vector<16xi1>
    %jit3A_248 = arith.constant 999 : i32
    %broadcast_in_dim3A_249 = vector.broadcast %jit3A_248 : i32 to vector<16xi32>
    %select_n3A_250 = arith.select %and3A_247, %get3A_240, %broadcast_in_dim3A_249 : vector<16xi1>, vector<16xi32>
    %add3A_251 = arith.constant 0 : i32
    %add3A_252 = vector.broadcast %add3A_251 : i32 to vector<16xi32>
    %add3A_253 = arith.addi %add3A_252, %iota3A : vector<16xi32>
    %mul3A_254 = arith.constant 1000 : i32
    %mul3A_255 = vector.broadcast %mul3A_254 : i32 to vector<16xi32>
    %mul3A_256 = arith.muli %add3A_253, %mul3A_255 : vector<16xi32>
    %add3A_257 = arith.addi %mul3A_256, %select_n3A_250 : vector<16xi32>
    tpu.vector_store_idx %arg4[%add3A_257], %broadcast_in_dim3A_7 : memref<32000xf32, #tpu.memory_space<vmem>>[vector<16xi32>], vector<16xf32>,
    %get3A_258 = arith.constant 144 : index
    %get3A_259 = tpu.vector_load %arg8[%get3A_258] {strides = array<i32>} : memref<512xi32, #tpu.memory_space<vmem>>, vector<16xi32>,
    %ge3A_260 = arith.constant 0 : i32
    %ge3A_261 = vector.broadcast %ge3A_260 : i32 to vector<16xi32>
    %ge3A_262 = arith.cmpi sge, %get3A_259, %ge3A_261 : vector<16xi32>
    %lt3A_263 = arith.constant 1000 : i32
    %lt3A_264 = vector.broadcast %lt3A_263 : i32 to vector<16xi32>
    %lt3A_265 = arith.cmpi slt, %get3A_259, %lt3A_264 : vector<16xi32>
    %and3A_266 = arith.andi %ge3A_262, %lt3A_265 : vector<16xi1>
    %jit3A_267 = arith.constant 999 : i32
    %broadcast_in_dim3A_268 = vector.broadcast %jit3A_267 : i32 to vector<16xi32>
    %select_n3A_269 = arith.select %and3A_266, %get3A_259, %broadcast_in_dim3A_268 : vector<16xi1>, vector<16xi32>
    %add3A_270 = arith.constant 16 : i32
    %add3A_271 = vector.broadcast %add3A_270 : i32 to vector<16xi32>
    %add3A_272 = arith.addi %add3A_271, %iota3A : vector<16xi32>
    %mul3A_273 = arith.constant 1000 : i32
    %mul3A_274 = vector.broadcast %mul3A_273 : i32 to vector<16xi32>
    %mul3A_275 = arith.muli %add3A_272, %mul3A_274 : vector<16xi32>
    %add3A_276 = arith.addi %mul3A_275, %select_n3A_269 : vector<16xi32>
    tpu.vector_store_idx %arg4[%add3A_276], %broadcast_in_dim3A_7 : memref<32000xf32, #tpu.memory_space<vmem>>[vector<16xi32>], vector<16xf32>,
    %add3A_277 = arith.constant 128 : i32
    %add3A_278 = arith.addi %mul3A_2, %add3A_277 : i32
    %mul3A_279 = arith.constant 1000 : i32
    %mul3A_280 = arith.muli %add3A_278, %mul3A_279 : i32
    %dma_start3A_281 = tpu.memref_slice %arg3[%mul3A_280] : memref<16384000xf32, #tpu.memory_space<hbm>> -> memref<32000xf32, #tpu.memory_space<hbm>>
    %dma_start3A_282 = tpu.memref_slice %arg3[%mul3A_280] : memref<16384000xf32, #tpu.memory_space<hbm>> -> memref<32000xf32, #tpu.memory_space<hbm>>
    tpu.enqueue_dma source(%arg4 : memref<32000xf32, #tpu.memory_space<vmem>>) target(%dma_start3A_282 : memref<32000xf32, #tpu.memory_space<hbm>>) target_semaphore(%arg9 : memref<!tpu.dma_semaphore, #tpu.memory_space<semaphore_mem>>)
    %dma_wait3A_283 = tpu.memref_slice %arg3[%mul3A_109] : memref<16384000xf32, #tpu.memory_space<hbm>> -> memref<32000xf32, #tpu.memory_space<hbm>>
    %dma_wait3A_284 = tpu.memref_slice %arg3[%mul3A_109] : memref<16384000xf32, #tpu.memory_space<hbm>> -> memref<32000xf32, #tpu.memory_space<hbm>>
    tpu.wait_dma2 semaphore(%arg10 : memref<!tpu.dma_semaphore, #tpu.memory_space<semaphore_mem>>) src(%arg5 : memref<32000xf32, #tpu.memory_space<vmem>>) dst(%dma_wait3A_284 : memref<32000xf32, #tpu.memory_space<hbm>>)
    %get3A_285 = arith.constant 32 : index
    %get3A_286 = tpu.vector_load %arg8[%get3A_285] {strides = array<i32>} : memref<512xi32, #tpu.memory_space<vmem>>, vector<16xi32>,
    %ge3A_287 = arith.constant 0 : i32
    %ge3A_288 = vector.broadcast %ge3A_287 : i32 to vector<16xi32>
    %ge3A_289 = arith.cmpi sge, %get3A_286, %ge3A_288 : vector<16xi32>
    %lt3A_290 = arith.constant 1000 : i32
    %lt3A_291 = vector.broadcast %lt3A_290 : i32 to vector<16xi32>
    %lt3A_292 = arith.cmpi slt, %get3A_286, %lt3A_291 : vector<16xi32>
    %and3A_293 = arith.andi %ge3A_289, %lt3A_292 : vector<16xi1>
    %jit3A_294 = arith.constant 999 : i32
    %broadcast_in_dim3A_295 = vector.broadcast %jit3A_294 : i32 to vector<16xi32>
    %select_n3A_296 = arith.select %and3A_293, %get3A_286, %broadcast_in_dim3A_295 : vector<16xi1>, vector<16xi32>
    %add3A_297 = arith.constant 0 : i32
    %add3A_298 = vector.broadcast %add3A_297 : i32 to vector<16xi32>
    %add3A_299 = arith.addi %add3A_298, %iota3A : vector<16xi32>
    %mul3A_300 = arith.constant 1000 : i32
    %mul3A_301 = vector.broadcast %mul3A_300 : i32 to vector<16xi32>
    %mul3A_302 = arith.muli %add3A_299, %mul3A_301 : vector<16xi32>
    %add3A_303 = arith.addi %mul3A_302, %select_n3A_296 : vector<16xi32>
    tpu.vector_store_idx %arg5[%add3A_303], %broadcast_in_dim3A_5 : memref<32000xf32, #tpu.memory_space<vmem>>[vector<16xi32>], vector<16xf32>,
    %get3A_304 = arith.constant 48 : index
    %get3A_305 = tpu.vector_load %arg8[%get3A_304] {strides = array<i32>} : memref<512xi32, #tpu.memory_space<vmem>>, vector<16xi32>,
    %ge3A_306 = arith.constant 0 : i32
    %ge3A_307 = vector.broadcast %ge3A_306 : i32 to vector<16xi32>
    %ge3A_308 = arith.cmpi sge, %get3A_305, %ge3A_307 : vector<16xi32>
    %lt3A_309 = arith.constant 1000 : i32
    %lt3A_310 = vector.broadcast %lt3A_309 : i32 to vector<16xi32>
    %lt3A_311 = arith.cmpi slt, %get3A_305, %lt3A_310 : vector<16xi32>
    %and3A_312 = arith.andi %ge3A_308, %lt3A_311 : vector<16xi1>
    %jit3A_313 = arith.constant 999 : i32
    %broadcast_in_dim3A_314 = vector.broadcast %jit3A_313 : i32 to vector<16xi32>
    %select_n3A_315 = arith.select %and3A_312, %get3A_305, %broadcast_in_dim3A_314 : vector<16xi1>, vector<16xi32>
    %add3A_316 = arith.constant 16 : i32
    %add3A_317 = vector.broadcast %add3A_316 : i32 to vector<16xi32>
    %add3A_318 = arith.addi %add3A_317, %iota3A : vector<16xi32>
    %mul3A_319 = arith.constant 1000 : i32
    %mul3A_320 = vector.broadcast %mul3A_319 : i32 to vector<16xi32>
    %mul3A_321 = arith.muli %add3A_318, %mul3A_320 : vector<16xi32>
    %add3A_322 = arith.addi %mul3A_321, %select_n3A_315 : vector<16xi32>
    tpu.vector_store_idx %arg5[%add3A_322], %broadcast_in_dim3A_5 : memref<32000xf32, #tpu.memory_space<vmem>>[vector<16xi32>], vector<16xf32>,
    %get3A_323 = arith.constant 160 : index
    %get3A_324 = tpu.vector_load %arg8[%get3A_323] {strides = array<i32>} : memref<512xi32, #tpu.memory_space<vmem>>, vector<16xi32>,
    %ge3A_325 = arith.constant 0 : i32
    %ge3A_326 = vector.broadcast %ge3A_325 : i32 to vector<16xi32>
    %ge3A_327 = arith.cmpi sge, %get3A_324, %ge3A_326 : vector<16xi32>
    %lt3A_328 = arith.constant 1000 : i32
    %lt3A_329 = vector.broadcast %lt3A_328 : i32 to vector<16xi32>
    %lt3A_330 = arith.cmpi slt, %get3A_324, %lt3A_329 : vector<16xi32>
    %and3A_331 = arith.andi %ge3A_327, %lt3A_330 : vector<16xi1>
    %jit3A_332 = arith.constant 999 : i32
    %broadcast_in_dim3A_333 = vector.broadcast %jit3A_332 : i32 to vector<16xi32>
    %select_n3A_334 = arith.select %and3A_331, %get3A_324, %broadcast_in_dim3A_333 : vector<16xi1>, vector<16xi32>
    %add3A_335 = arith.constant 0 : i32
    %add3A_336 = vector.broadcast %add3A_335 : i32 to vector<16xi32>
    %add3A_337 = arith.addi %add3A_336, %iota3A : vector<16xi32>
    %mul3A_338 = arith.constant 1000 : i32
    %mul3A_339 = vector.broadcast %mul3A_338 : i32 to vector<16xi32>
    %mul3A_340 = arith.muli %add3A_337, %mul3A_339 : vector<16xi32>
    %add3A_341 = arith.addi %mul3A_340, %select_n3A_334 : vector<16xi32>
    tpu.vector_store_idx %arg5[%add3A_341], %broadcast_in_dim3A_7 : memref<32000xf32, #tpu.memory_space<vmem>>[vector<16xi32>], vector<16xf32>,
    %get3A_342 = arith.constant 176 : index
    %get3A_343 = tpu.vector_load %arg8[%get3A_342] {strides = array<i32>} : memref<512xi32, #tpu.memory_space<vmem>>, vector<16xi32>,
    %ge3A_344 = arith.constant 0 : i32
    %ge3A_345 = vector.broadcast %ge3A_344 : i32 to vector<16xi32>
    %ge3A_346 = arith.cmpi sge, %get3A_343, %ge3A_345 : vector<16xi32>
    %lt3A_347 = arith.constant 1000 : i32
    %lt3A_348 = vector.broadcast %lt3A_347 : i32 to vector<16xi32>
    %lt3A_349 = arith.cmpi slt, %get3A_343, %lt3A_348 : vector<16xi32>
    %and3A_350 = arith.andi %ge3A_346, %lt3A_349 : vector<16xi1>
    %jit3A_351 = arith.constant 999 : i32
    %broadcast_in_dim3A_352 = vector.broadcast %jit3A_351 : i32 to vector<16xi32>
    %select_n3A_353 = arith.select %and3A_350, %get3A_343, %broadcast_in_dim3A_352 : vector<16xi1>, vector<16xi32>
    %add3A_354 = arith.constant 16 : i32
    %add3A_355 = vector.broadcast %add3A_354 : i32 to vector<16xi32>
    %add3A_356 = arith.addi %add3A_355, %iota3A : vector<16xi32>
    %mul3A_357 = arith.constant 1000 : i32
    %mul3A_358 = vector.broadcast %mul3A_357 : i32 to vector<16xi32>
    %mul3A_359 = arith.muli %add3A_356, %mul3A_358 : vector<16xi32>
    %add3A_360 = arith.addi %mul3A_359, %select_n3A_353 : vector<16xi32>
    tpu.vector_store_idx %arg5[%add3A_360], %broadcast_in_dim3A_7 : memref<32000xf32, #tpu.memory_space<vmem>>[vector<16xi32>], vector<16xf32>,
    %add3A_361 = arith.constant 160 : i32
    %add3A_362 = arith.addi %mul3A_2, %add3A_361 : i32
    %mul3A_363 = arith.constant 1000 : i32
    %mul3A_364 = arith.muli %add3A_362, %mul3A_363 : i32
    %dma_start3A_365 = tpu.memref_slice %arg3[%mul3A_364] : memref<16384000xf32, #tpu.memory_space<hbm>> -> memref<32000xf32, #tpu.memory_space<hbm>>
    %dma_start3A_366 = tpu.memref_slice %arg3[%mul3A_364] : memref<16384000xf32, #tpu.memory_space<hbm>> -> memref<32000xf32, #tpu.memory_space<hbm>>
    tpu.enqueue_dma source(%arg5 : memref<32000xf32, #tpu.memory_space<vmem>>) target(%dma_start3A_366 : memref<32000xf32, #tpu.memory_space<hbm>>) target_semaphore(%arg10 : memref<!tpu.dma_semaphore, #tpu.memory_space<semaphore_mem>>)
    %dma_wait3A_367 = tpu.memref_slice %arg3[%mul3A_153] : memref<16384000xf32, #tpu.memory_space<hbm>> -> memref<32000xf32, #tpu.memory_space<hbm>>
    %dma_wait3A_368 = tpu.memref_slice %arg3[%mul3A_153] : memref<16384000xf32, #tpu.memory_space<hbm>> -> memref<32000xf32, #tpu.memory_space<hbm>>
    tpu.wait_dma2 semaphore(%arg11 : memref<!tpu.dma_semaphore, #tpu.memory_space<semaphore_mem>>) src(%arg6 : memref<32000xf32, #tpu.memory_space<vmem>>) dst(%dma_wait3A_368 : memref<32000xf32, #tpu.memory_space<hbm>>)
    %get3A_369 = arith.constant 64 : index
    %get3A_370 = tpu.vector_load %arg8[%get3A_369] {strides = array<i32>} : memref<512xi32, #tpu.memory_space<vmem>>, vector<16xi32>,
    %ge3A_371 = arith.constant 0 : i32
    %ge3A_372 = vector.broadcast %ge3A_371 : i32 to vector<16xi32>
    %ge3A_373 = arith.cmpi sge, %get3A_370, %ge3A_372 : vector<16xi32>
    %lt3A_374 = arith.constant 1000 : i32
    %lt3A_375 = vector.broadcast %lt3A_374 : i32 to vector<16xi32>
    %lt3A_376 = arith.cmpi slt, %get3A_370, %lt3A_375 : vector<16xi32>
    %and3A_377 = arith.andi %ge3A_373, %lt3A_376 : vector<16xi1>
    %jit3A_378 = arith.constant 999 : i32
    %broadcast_in_dim3A_379 = vector.broadcast %jit3A_378 : i32 to vector<16xi32>
    %select_n3A_380 = arith.select %and3A_377, %get3A_370, %broadcast_in_dim3A_379 : vector<16xi1>, vector<16xi32>
    %add3A_381 = arith.constant 0 : i32
    %add3A_382 = vector.broadcast %add3A_381 : i32 to vector<16xi32>
    %add3A_383 = arith.addi %add3A_382, %iota3A : vector<16xi32>
    %mul3A_384 = arith.constant 1000 : i32
    %mul3A_385 = vector.broadcast %mul3A_384 : i32 to vector<16xi32>
    %mul3A_386 = arith.muli %add3A_383, %mul3A_385 : vector<16xi32>
    %add3A_387 = arith.addi %mul3A_386, %select_n3A_380 : vector<16xi32>
    tpu.vector_store_idx %arg6[%add3A_387], %broadcast_in_dim3A_5 : memref<32000xf32, #tpu.memory_space<vmem>>[vector<16xi32>], vector<16xf32>,
    %get3A_388 = arith.constant 80 : index
    %get3A_389 = tpu.vector_load %arg8[%get3A_388] {strides = array<i32>} : memref<512xi32, #tpu.memory_space<vmem>>, vector<16xi32>,
    %ge3A_390 = arith.constant 0 : i32
    %ge3A_391 = vector.broadcast %ge3A_390 : i32 to vector<16xi32>
    %ge3A_392 = arith.cmpi sge, %get3A_389, %ge3A_391 : vector<16xi32>
    %lt3A_393 = arith.constant 1000 : i32
    %lt3A_394 = vector.broadcast %lt3A_393 : i32 to vector<16xi32>
    %lt3A_395 = arith.cmpi slt, %get3A_389, %lt3A_394 : vector<16xi32>
    %and3A_396 = arith.andi %ge3A_392, %lt3A_395 : vector<16xi1>
    %jit3A_397 = arith.constant 999 : i32
    %broadcast_in_dim3A_398 = vector.broadcast %jit3A_397 : i32 to vector<16xi32>
    %select_n3A_399 = arith.select %and3A_396, %get3A_389, %broadcast_in_dim3A_398 : vector<16xi1>, vector<16xi32>
    %add3A_400 = arith.constant 16 : i32
    %add3A_401 = vector.broadcast %add3A_400 : i32 to vector<16xi32>
    %add3A_402 = arith.addi %add3A_401, %iota3A : vector<16xi32>
    %mul3A_403 = arith.constant 1000 : i32
    %mul3A_404 = vector.broadcast %mul3A_403 : i32 to vector<16xi32>
    %mul3A_405 = arith.muli %add3A_402, %mul3A_404 : vector<16xi32>
    %add3A_406 = arith.addi %mul3A_405, %select_n3A_399 : vector<16xi32>
    tpu.vector_store_idx %arg6[%add3A_406], %broadcast_in_dim3A_5 : memref<32000xf32, #tpu.memory_space<vmem>>[vector<16xi32>], vector<16xf32>,
    %get3A_407 = arith.constant 192 : index
    %get3A_408 = tpu.vector_load %arg8[%get3A_407] {strides = array<i32>} : memref<512xi32, #tpu.memory_space<vmem>>, vector<16xi32>,
    %ge3A_409 = arith.constant 0 : i32
    %ge3A_410 = vector.broadcast %ge3A_409 : i32 to vector<16xi32>
    %ge3A_411 = arith.cmpi sge, %get3A_408, %ge3A_410 : vector<16xi32>
    %lt3A_412 = arith.constant 1000 : i32
    %lt3A_413 = vector.broadcast %lt3A_412 : i32 to vector<16xi32>
    %lt3A_414 = arith.cmpi slt, %get3A_408, %lt3A_413 : vector<16xi32>
    %and3A_415 = arith.andi %ge3A_411, %lt3A_414 : vector<16xi1>
    %jit3A_416 = arith.constant 999 : i32
    %broadcast_in_dim3A_417 = vector.broadcast %jit3A_416 : i32 to vector<16xi32>
    %select_n3A_418 = arith.select %and3A_415, %get3A_408, %broadcast_in_dim3A_417 : vector<16xi1>, vector<16xi32>
    %add3A_419 = arith.constant 0 : i32
    %add3A_420 = vector.broadcast %add3A_419 : i32 to vector<16xi32>
    %add3A_421 = arith.addi %add3A_420, %iota3A : vector<16xi32>
    %mul3A_422 = arith.constant 1000 : i32
    %mul3A_423 = vector.broadcast %mul3A_422 : i32 to vector<16xi32>
    %mul3A_424 = arith.muli %add3A_421, %mul3A_423 : vector<16xi32>
    %add3A_425 = arith.addi %mul3A_424, %select_n3A_418 : vector<16xi32>
    tpu.vector_store_idx %arg6[%add3A_425], %broadcast_in_dim3A_7 : memref<32000xf32, #tpu.memory_space<vmem>>[vector<16xi32>], vector<16xf32>,
    %get3A_426 = arith.constant 208 : index
    %get3A_427 = tpu.vector_load %arg8[%get3A_426] {strides = array<i32>} : memref<512xi32, #tpu.memory_space<vmem>>, vector<16xi32>,
    %ge3A_428 = arith.constant 0 : i32
    %ge3A_429 = vector.broadcast %ge3A_428 : i32 to vector<16xi32>
    %ge3A_430 = arith.cmpi sge, %get3A_427, %ge3A_429 : vector<16xi32>
    %lt3A_431 = arith.constant 1000 : i32
    %lt3A_432 = vector.broadcast %lt3A_431 : i32 to vector<16xi32>
    %lt3A_433 = arith.cmpi slt, %get3A_427, %lt3A_432 : vector<16xi32>
    %and3A_434 = arith.andi %ge3A_430, %lt3A_433 : vector<16xi1>
    %jit3A_435 = arith.constant 999 : i32
    %broadcast_in_dim3A_436 = vector.broadcast %jit3A_435 : i32 to vector<16xi32>
    %select_n3A_437 = arith.select %and3A_434, %get3A_427, %broadcast_in_dim3A_436 : vector<16xi1>, vector<16xi32>
    %add3A_438 = arith.constant 16 : i32
    %add3A_439 = vector.broadcast %add3A_438 : i32 to vector<16xi32>
    %add3A_440 = arith.addi %add3A_439, %iota3A : vector<16xi32>
    %mul3A_441 = arith.constant 1000 : i32
    %mul3A_442 = vector.broadcast %mul3A_441 : i32 to vector<16xi32>
    %mul3A_443 = arith.muli %add3A_440, %mul3A_442 : vector<16xi32>
    %add3A_444 = arith.addi %mul3A_443, %select_n3A_437 : vector<16xi32>
    tpu.vector_store_idx %arg6[%add3A_444], %broadcast_in_dim3A_7 : memref<32000xf32, #tpu.memory_space<vmem>>[vector<16xi32>], vector<16xf32>,
    %add3A_445 = arith.constant 192 : i32
    %add3A_446 = arith.addi %mul3A_2, %add3A_445 : i32
    %mul3A_447 = arith.constant 1000 : i32
    %mul3A_448 = arith.muli %add3A_446, %mul3A_447 : i32
    %dma_start3A_449 = tpu.memref_slice %arg3[%mul3A_448] : memref<16384000xf32, #tpu.memory_space<hbm>> -> memref<32000xf32, #tpu.memory_space<hbm>>
    %dma_start3A_450 = tpu.memref_slice %arg3[%mul3A_448] : memref<16384000xf32, #tpu.memory_space<hbm>> -> memref<32000xf32, #tpu.memory_space<hbm>>
    tpu.enqueue_dma source(%arg6 : memref<32000xf32, #tpu.memory_space<vmem>>) target(%dma_start3A_450 : memref<32000xf32, #tpu.memory_space<hbm>>) target_semaphore(%arg11 : memref<!tpu.dma_semaphore, #tpu.memory_space<semaphore_mem>>)
    %dma_wait3A_451 = tpu.memref_slice %arg3[%mul3A_197] : memref<16384000xf32, #tpu.memory_space<hbm>> -> memref<32000xf32, #tpu.memory_space<hbm>>
    %dma_wait3A_452 = tpu.memref_slice %arg3[%mul3A_197] : memref<16384000xf32, #tpu.memory_space<hbm>> -> memref<32000xf32, #tpu.memory_space<hbm>>
    tpu.wait_dma2 semaphore(%arg12 : memref<!tpu.dma_semaphore, #tpu.memory_space<semaphore_mem>>) src(%arg7 : memref<32000xf32, #tpu.memory_space<vmem>>) dst(%dma_wait3A_452 : memref<32000xf32, #tpu.memory_space<hbm>>)
    %get3A_453 = arith.constant 96 : index
    %get3A_454 = tpu.vector_load %arg8[%get3A_453] {strides = array<i32>} : memref<512xi32, #tpu.memory_space<vmem>>, vector<16xi32>,
    %ge3A_455 = arith.constant 0 : i32
    %ge3A_456 = vector.broadcast %ge3A_455 : i32 to vector<16xi32>
    %ge3A_457 = arith.cmpi sge, %get3A_454, %ge3A_456 : vector<16xi32>
    %lt3A_458 = arith.constant 1000 : i32
    %lt3A_459 = vector.broadcast %lt3A_458 : i32 to vector<16xi32>
    %lt3A_460 = arith.cmpi slt, %get3A_454, %lt3A_459 : vector<16xi32>
    %and3A_461 = arith.andi %ge3A_457, %lt3A_460 : vector<16xi1>
    %jit3A_462 = arith.constant 999 : i32
    %broadcast_in_dim3A_463 = vector.broadcast %jit3A_462 : i32 to vector<16xi32>
    %select_n3A_464 = arith.select %and3A_461, %get3A_454, %broadcast_in_dim3A_463 : vector<16xi1>, vector<16xi32>
    %add3A_465 = arith.constant 0 : i32
    %add3A_466 = vector.broadcast %add3A_465 : i32 to vector<16xi32>
    %add3A_467 = arith.addi %add3A_466, %iota3A : vector<16xi32>
    %mul3A_468 = arith.constant 1000 : i32
    %mul3A_469 = vector.broadcast %mul3A_468 : i32 to vector<16xi32>
    %mul3A_470 = arith.muli %add3A_467, %mul3A_469 : vector<16xi32>
    %add3A_471 = arith.addi %mul3A_470, %select_n3A_464 : vector<16xi32>
    tpu.vector_store_idx %arg7[%add3A_471], %broadcast_in_dim3A_5 : memref<32000xf32, #tpu.memory_space<vmem>>[vector<16xi32>], vector<16xf32>,
    %get3A_472 = arith.constant 112 : index
    %get3A_473 = tpu.vector_load %arg8[%get3A_472] {strides = array<i32>} : memref<512xi32, #tpu.memory_space<vmem>>, vector<16xi32>,
    %ge3A_474 = arith.constant 0 : i32
    %ge3A_475 = vector.broadcast %ge3A_474 : i32 to vector<16xi32>
    %ge3A_476 = arith.cmpi sge, %get3A_473, %ge3A_475 : vector<16xi32>
    %lt3A_477 = arith.constant 1000 : i32
    %lt3A_478 = vector.broadcast %lt3A_477 : i32 to vector<16xi32>
    %lt3A_479 = arith.cmpi slt, %get3A_473, %lt3A_478 : vector<16xi32>
    %and3A_480 = arith.andi %ge3A_476, %lt3A_479 : vector<16xi1>
    %jit3A_481 = arith.constant 999 : i32
    %broadcast_in_dim3A_482 = vector.broadcast %jit3A_481 : i32 to vector<16xi32>
    %select_n3A_483 = arith.select %and3A_480, %get3A_473, %broadcast_in_dim3A_482 : vector<16xi1>, vector<16xi32>
    %add3A_484 = arith.constant 16 : i32
    %add3A_485 = vector.broadcast %add3A_484 : i32 to vector<16xi32>
    %add3A_486 = arith.addi %add3A_485, %iota3A : vector<16xi32>
    %mul3A_487 = arith.constant 1000 : i32
    %mul3A_488 = vector.broadcast %mul3A_487 : i32 to vector<16xi32>
    %mul3A_489 = arith.muli %add3A_486, %mul3A_488 : vector<16xi32>
    %add3A_490 = arith.addi %mul3A_489, %select_n3A_483 : vector<16xi32>
    tpu.vector_store_idx %arg7[%add3A_490], %broadcast_in_dim3A_5 : memref<32000xf32, #tpu.memory_space<vmem>>[vector<16xi32>], vector<16xf32>,
    %get3A_491 = arith.constant 224 : index
    %get3A_492 = tpu.vector_load %arg8[%get3A_491] {strides = array<i32>} : memref<512xi32, #tpu.memory_space<vmem>>, vector<16xi32>,
    %ge3A_493 = arith.constant 0 : i32
    %ge3A_494 = vector.broadcast %ge3A_493 : i32 to vector<16xi32>
    %ge3A_495 = arith.cmpi sge, %get3A_492, %ge3A_494 : vector<16xi32>
    %lt3A_496 = arith.constant 1000 : i32
    %lt3A_497 = vector.broadcast %lt3A_496 : i32 to vector<16xi32>
    %lt3A_498 = arith.cmpi slt, %get3A_492, %lt3A_497 : vector<16xi32>
    %and3A_499 = arith.andi %ge3A_495, %lt3A_498 : vector<16xi1>
    %jit3A_500 = arith.constant 999 : i32
    %broadcast_in_dim3A_501 = vector.broadcast %jit3A_500 : i32 to vector<16xi32>
    %select_n3A_502 = arith.select %and3A_499, %get3A_492, %broadcast_in_dim3A_501 : vector<16xi1>, vector<16xi32>
    %add3A_503 = arith.constant 0 : i32
    %add3A_504 = vector.broadcast %add3A_503 : i32 to vector<16xi32>
    %add3A_505 = arith.addi %add3A_504, %iota3A : vector<16xi32>
    %mul3A_506 = arith.constant 1000 : i32
    %mul3A_507 = vector.broadcast %mul3A_506 : i32 to vector<16xi32>
    %mul3A_508 = arith.muli %add3A_505, %mul3A_507 : vector<16xi32>
    %add3A_509 = arith.addi %mul3A_508, %select_n3A_502 : vector<16xi32>
    tpu.vector_store_idx %arg7[%add3A_509], %broadcast_in_dim3A_7 : memref<32000xf32, #tpu.memory_space<vmem>>[vector<16xi32>], vector<16xf32>,
    %get3A_510 = arith.constant 240 : index
    %get3A_511 = tpu.vector_load %arg8[%get3A_510] {strides = array<i32>} : memref<512xi32, #tpu.memory_space<vmem>>, vector<16xi32>,
    %ge3A_512 = arith.constant 0 : i32
    %ge3A_513 = vector.broadcast %ge3A_512 : i32 to vector<16xi32>
    %ge3A_514 = arith.cmpi sge, %get3A_511, %ge3A_513 : vector<16xi32>
    %lt3A_515 = arith.constant 1000 : i32
    %lt3A_516 = vector.broadcast %lt3A_515 : i32 to vector<16xi32>
    %lt3A_517 = arith.cmpi slt, %get3A_511, %lt3A_516 : vector<16xi32>
    %and3A_518 = arith.andi %ge3A_514, %lt3A_517 : vector<16xi1>
    %jit3A_519 = arith.constant 999 : i32
    %broadcast_in_dim3A_520 = vector.broadcast %jit3A_519 : i32 to vector<16xi32>
    %select_n3A_521 = arith.select %and3A_518, %get3A_511, %broadcast_in_dim3A_520 : vector<16xi1>, vector<16xi32>
    %add3A_522 = arith.constant 16 : i32
    %add3A_523 = vector.broadcast %add3A_522 : i32 to vector<16xi32>
    %add3A_524 = arith.addi %add3A_523, %iota3A : vector<16xi32>
    %mul3A_525 = arith.constant 1000 : i32
    %mul3A_526 = vector.broadcast %mul3A_525 : i32 to vector<16xi32>
    %mul3A_527 = arith.muli %add3A_524, %mul3A_526 : vector<16xi32>
    %add3A_528 = arith.addi %mul3A_527, %select_n3A_521 : vector<16xi32>
    tpu.vector_store_idx %arg7[%add3A_528], %broadcast_in_dim3A_7 : memref<32000xf32, #tpu.memory_space<vmem>>[vector<16xi32>], vector<16xf32>,
    %add3A_529 = arith.constant 224 : i32
    %add3A_530 = arith.addi %mul3A_2, %add3A_529 : i32
    %mul3A_531 = arith.constant 1000 : i32
    %mul3A_532 = arith.muli %add3A_530, %mul3A_531 : i32
    %dma_start3A_533 = tpu.memref_slice %arg3[%mul3A_532] : memref<16384000xf32, #tpu.memory_space<hbm>> -> memref<32000xf32, #tpu.memory_space<hbm>>
    %dma_start3A_534 = tpu.memref_slice %arg3[%mul3A_532] : memref<16384000xf32, #tpu.memory_space<hbm>> -> memref<32000xf32, #tpu.memory_space<hbm>>
    tpu.enqueue_dma source(%arg7 : memref<32000xf32, #tpu.memory_space<vmem>>) target(%dma_start3A_534 : memref<32000xf32, #tpu.memory_space<hbm>>) target_semaphore(%arg12 : memref<!tpu.dma_semaphore, #tpu.memory_space<semaphore_mem>>)
    %dma_wait3A_535 = tpu.memref_slice %arg3[%mul3A_280] : memref<16384000xf32, #tpu.memory_space<hbm>> -> memref<32000xf32, #tpu.memory_space<hbm>>
    %dma_wait3A_536 = tpu.memref_slice %arg3[%mul3A_280] : memref<16384000xf32, #tpu.memory_space<hbm>> -> memref<32000xf32, #tpu.memory_space<hbm>>
    tpu.wait_dma2 semaphore(%arg9 : memref<!tpu.dma_semaphore, #tpu.memory_space<semaphore_mem>>) src(%arg4 : memref<32000xf32, #tpu.memory_space<vmem>>) dst(%dma_wait3A_536 : memref<32000xf32, #tpu.memory_space<hbm>>)
    %get3A_537 = arith.constant 128 : index
    %get3A_538 = tpu.vector_load %arg8[%get3A_537] {strides = array<i32>} : memref<512xi32, #tpu.memory_space<vmem>>, vector<16xi32>,
    %ge3A_539 = arith.constant 0 : i32
    %ge3A_540 = vector.broadcast %ge3A_539 : i32 to vector<16xi32>
    %ge3A_541 = arith.cmpi sge, %get3A_538, %ge3A_540 : vector<16xi32>
    %lt3A_542 = arith.constant 1000 : i32
    %lt3A_543 = vector.broadcast %lt3A_542 : i32 to vector<16xi32>
    %lt3A_544 = arith.cmpi slt, %get3A_538, %lt3A_543 : vector<16xi32>
    %and3A_545 = arith.andi %ge3A_541, %lt3A_544 : vector<16xi1>
    %jit3A_546 = arith.constant 999 : i32
    %broadcast_in_dim3A_547 = vector.broadcast %jit3A_546 : i32 to vector<16xi32>
    %select_n3A_548 = arith.select %and3A_545, %get3A_538, %broadcast_in_dim3A_547 : vector<16xi1>, vector<16xi32>
    %add3A_549 = arith.constant 0 : i32
    %add3A_550 = vector.broadcast %add3A_549 : i32 to vector<16xi32>
    %add3A_551 = arith.addi %add3A_550, %iota3A : vector<16xi32>
    %mul3A_552 = arith.constant 1000 : i32
    %mul3A_553 = vector.broadcast %mul3A_552 : i32 to vector<16xi32>
    %mul3A_554 = arith.muli %add3A_551, %mul3A_553 : vector<16xi32>
    %add3A_555 = arith.addi %mul3A_554, %select_n3A_548 : vector<16xi32>
    tpu.vector_store_idx %arg4[%add3A_555], %broadcast_in_dim3A_5 : memref<32000xf32, #tpu.memory_space<vmem>>[vector<16xi32>], vector<16xf32>,
    %get3A_556 = arith.constant 144 : index
    %get3A_557 = tpu.vector_load %arg8[%get3A_556] {strides = array<i32>} : memref<512xi32, #tpu.memory_space<vmem>>, vector<16xi32>,
    %ge3A_558 = arith.constant 0 : i32
    %ge3A_559 = vector.broadcast %ge3A_558 : i32 to vector<16xi32>
    %ge3A_560 = arith.cmpi sge, %get3A_557, %ge3A_559 : vector<16xi32>
    %lt3A_561 = arith.constant 1000 : i32
    %lt3A_562 = vector.broadcast %lt3A_561 : i32 to vector<16xi32>
    %lt3A_563 = arith.cmpi slt, %get3A_557, %lt3A_562 : vector<16xi32>
    %and3A_564 = arith.andi %ge3A_560, %lt3A_563 : vector<16xi1>
    %jit3A_565 = arith.constant 999 : i32
    %broadcast_in_dim3A_566 = vector.broadcast %jit3A_565 : i32 to vector<16xi32>
    %select_n3A_567 = arith.select %and3A_564, %get3A_557, %broadcast_in_dim3A_566 : vector<16xi1>, vector<16xi32>
    %add3A_568 = arith.constant 16 : i32
    %add3A_569 = vector.broadcast %add3A_568 : i32 to vector<16xi32>
    %add3A_570 = arith.addi %add3A_569, %iota3A : vector<16xi32>
    %mul3A_571 = arith.constant 1000 : i32
    %mul3A_572 = vector.broadcast %mul3A_571 : i32 to vector<16xi32>
    %mul3A_573 = arith.muli %add3A_570, %mul3A_572 : vector<16xi32>
    %add3A_574 = arith.addi %mul3A_573, %select_n3A_567 : vector<16xi32>
    tpu.vector_store_idx %arg4[%add3A_574], %broadcast_in_dim3A_5 : memref<32000xf32, #tpu.memory_space<vmem>>[vector<16xi32>], vector<16xf32>,
    %get3A_575 = arith.constant 256 : index
    %get3A_576 = tpu.vector_load %arg8[%get3A_575] {strides = array<i32>} : memref<512xi32, #tpu.memory_space<vmem>>, vector<16xi32>,
    %ge3A_577 = arith.constant 0 : i32
    %ge3A_578 = vector.broadcast %ge3A_577 : i32 to vector<16xi32>
    %ge3A_579 = arith.cmpi sge, %get3A_576, %ge3A_578 : vector<16xi32>
    %lt3A_580 = arith.constant 1000 : i32
    %lt3A_581 = vector.broadcast %lt3A_580 : i32 to vector<16xi32>
    %lt3A_582 = arith.cmpi slt, %get3A_576, %lt3A_581 : vector<16xi32>
    %and3A_583 = arith.andi %ge3A_579, %lt3A_582 : vector<16xi1>
    %jit3A_584 = arith.constant 999 : i32
    %broadcast_in_dim3A_585 = vector.broadcast %jit3A_584 : i32 to vector<16xi32>
    %select_n3A_586 = arith.select %and3A_583, %get3A_576, %broadcast_in_dim3A_585 : vector<16xi1>, vector<16xi32>
    %add3A_587 = arith.constant 0 : i32
    %add3A_588 = vector.broadcast %add3A_587 : i32 to vector<16xi32>
    %add3A_589 = arith.addi %add3A_588, %iota3A : vector<16xi32>
    %mul3A_590 = arith.constant 1000 : i32
    %mul3A_591 = vector.broadcast %mul3A_590 : i32 to vector<16xi32>
    %mul3A_592 = arith.muli %add3A_589, %mul3A_591 : vector<16xi32>
    %add3A_593 = arith.addi %mul3A_592, %select_n3A_586 : vector<16xi32>
    tpu.vector_store_idx %arg4[%add3A_593], %broadcast_in_dim3A_7 : memref<32000xf32, #tpu.memory_space<vmem>>[vector<16xi32>], vector<16xf32>,
    %get3A_594 = arith.constant 272 : index
    %get3A_595 = tpu.vector_load %arg8[%get3A_594] {strides = array<i32>} : memref<512xi32, #tpu.memory_space<vmem>>, vector<16xi32>,
    %ge3A_596 = arith.constant 0 : i32
    %ge3A_597 = vector.broadcast %ge3A_596 : i32 to vector<16xi32>
    %ge3A_598 = arith.cmpi sge, %get3A_595, %ge3A_597 : vector<16xi32>
    %lt3A_599 = arith.constant 1000 : i32
    %lt3A_600 = vector.broadcast %lt3A_599 : i32 to vector<16xi32>
    %lt3A_601 = arith.cmpi slt, %get3A_595, %lt3A_600 : vector<16xi32>
    %and3A_602 = arith.andi %ge3A_598, %lt3A_601 : vector<16xi1>
    %jit3A_603 = arith.constant 999 : i32
    %broadcast_in_dim3A_604 = vector.broadcast %jit3A_603 : i32 to vector<16xi32>
    %select_n3A_605 = arith.select %and3A_602, %get3A_595, %broadcast_in_dim3A_604 : vector<16xi1>, vector<16xi32>
    %add3A_606 = arith.constant 16 : i32
    %add3A_607 = vector.broadcast %add3A_606 : i32 to vector<16xi32>
    %add3A_608 = arith.addi %add3A_607, %iota3A : vector<16xi32>
    %mul3A_609 = arith.constant 1000 : i32
    %mul3A_610 = vector.broadcast %mul3A_609 : i32 to vector<16xi32>
    %mul3A_611 = arith.muli %add3A_608, %mul3A_610 : vector<16xi32>
    %add3A_612 = arith.addi %mul3A_611, %select_n3A_605 : vector<16xi32>
    tpu.vector_store_idx %arg4[%add3A_612], %broadcast_in_dim3A_7 : memref<32000xf32, #tpu.memory_space<vmem>>[vector<16xi32>], vector<16xf32>,
    %add3A_613 = arith.constant 256 : i32
    %add3A_614 = arith.addi %mul3A_2, %add3A_613 : i32
    %mul3A_615 = arith.constant 1000 : i32
    %mul3A_616 = arith.muli %add3A_614, %mul3A_615 : i32
    %dma_start3A_617 = tpu.memref_slice %arg3[%mul3A_616] : memref<16384000xf32, #tpu.memory_space<hbm>> -> memref<32000xf32, #tpu.memory_space<hbm>>
    %dma_start3A_618 = tpu.memref_slice %arg3[%mul3A_616] : memref<16384000xf32, #tpu.memory_space<hbm>> -> memref<32000xf32, #tpu.memory_space<hbm>>
    tpu.enqueue_dma source(%arg4 : memref<32000xf32, #tpu.memory_space<vmem>>) target(%dma_start3A_618 : memref<32000xf32, #tpu.memory_space<hbm>>) target_semaphore(%arg9 : memref<!tpu.dma_semaphore, #tpu.memory_space<semaphore_mem>>)
    %dma_wait3A_619 = tpu.memref_slice %arg3[%mul3A_364] : memref<16384000xf32, #tpu.memory_space<hbm>> -> memref<32000xf32, #tpu.memory_space<hbm>>
    %dma_wait3A_620 = tpu.memref_slice %arg3[%mul3A_364] : memref<16384000xf32, #tpu.memory_space<hbm>> -> memref<32000xf32, #tpu.memory_space<hbm>>
    tpu.wait_dma2 semaphore(%arg10 : memref<!tpu.dma_semaphore, #tpu.memory_space<semaphore_mem>>) src(%arg5 : memref<32000xf32, #tpu.memory_space<vmem>>) dst(%dma_wait3A_620 : memref<32000xf32, #tpu.memory_space<hbm>>)
    %get3A_621 = arith.constant 160 : index
    %get3A_622 = tpu.vector_load %arg8[%get3A_621] {strides = array<i32>} : memref<512xi32, #tpu.memory_space<vmem>>, vector<16xi32>,
    %ge3A_623 = arith.constant 0 : i32
    %ge3A_624 = vector.broadcast %ge3A_623 : i32 to vector<16xi32>
    %ge3A_625 = arith.cmpi sge, %get3A_622, %ge3A_624 : vector<16xi32>
    %lt3A_626 = arith.constant 1000 : i32
    %lt3A_627 = vector.broadcast %lt3A_626 : i32 to vector<16xi32>
    %lt3A_628 = arith.cmpi slt, %get3A_622, %lt3A_627 : vector<16xi32>
    %and3A_629 = arith.andi %ge3A_625, %lt3A_628 : vector<16xi1>
    %jit3A_630 = arith.constant 999 : i32
    %broadcast_in_dim3A_631 = vector.broadcast %jit3A_630 : i32 to vector<16xi32>
    %select_n3A_632 = arith.select %and3A_629, %get3A_622, %broadcast_in_dim3A_631 : vector<16xi1>, vector<16xi32>
    %add3A_633 = arith.constant 0 : i32
    %add3A_634 = vector.broadcast %add3A_633 : i32 to vector<16xi32>
    %add3A_635 = arith.addi %add3A_634, %iota3A : vector<16xi32>
    %mul3A_636 = arith.constant 1000 : i32
    %mul3A_637 = vector.broadcast %mul3A_636 : i32 to vector<16xi32>
    %mul3A_638 = arith.muli %add3A_635, %mul3A_637 : vector<16xi32>
    %add3A_639 = arith.addi %mul3A_638, %select_n3A_632 : vector<16xi32>
    tpu.vector_store_idx %arg5[%add3A_639], %broadcast_in_dim3A_5 : memref<32000xf32, #tpu.memory_space<vmem>>[vector<16xi32>], vector<16xf32>,
    %get3A_640 = arith.constant 176 : index
    %get3A_641 = tpu.vector_load %arg8[%get3A_640] {strides = array<i32>} : memref<512xi32, #tpu.memory_space<vmem>>, vector<16xi32>,
    %ge3A_642 = arith.constant 0 : i32
    %ge3A_643 = vector.broadcast %ge3A_642 : i32 to vector<16xi32>
    %ge3A_644 = arith.cmpi sge, %get3A_641, %ge3A_643 : vector<16xi32>
    %lt3A_645 = arith.constant 1000 : i32
    %lt3A_646 = vector.broadcast %lt3A_645 : i32 to vector<16xi32>
    %lt3A_647 = arith.cmpi slt, %get3A_641, %lt3A_646 : vector<16xi32>
    %and3A_648 = arith.andi %ge3A_644, %lt3A_647 : vector<16xi1>
    %jit3A_649 = arith.constant 999 : i32
    %broadcast_in_dim3A_650 = vector.broadcast %jit3A_649 : i32 to vector<16xi32>
    %select_n3A_651 = arith.select %and3A_648, %get3A_641, %broadcast_in_dim3A_650 : vector<16xi1>, vector<16xi32>
    %add3A_652 = arith.constant 16 : i32
    %add3A_653 = vector.broadcast %add3A_652 : i32 to vector<16xi32>
    %add3A_654 = arith.addi %add3A_653, %iota3A : vector<16xi32>
    %mul3A_655 = arith.constant 1000 : i32
    %mul3A_656 = vector.broadcast %mul3A_655 : i32 to vector<16xi32>
    %mul3A_657 = arith.muli %add3A_654, %mul3A_656 : vector<16xi32>
    %add3A_658 = arith.addi %mul3A_657, %select_n3A_651 : vector<16xi32>
    tpu.vector_store_idx %arg5[%add3A_658], %broadcast_in_dim3A_5 : memref<32000xf32, #tpu.memory_space<vmem>>[vector<16xi32>], vector<16xf32>,
    %get3A_659 = arith.constant 288 : index
    %get3A_660 = tpu.vector_load %arg8[%get3A_659] {strides = array<i32>} : memref<512xi32, #tpu.memory_space<vmem>>, vector<16xi32>,
    %ge3A_661 = arith.constant 0 : i32
    %ge3A_662 = vector.broadcast %ge3A_661 : i32 to vector<16xi32>
    %ge3A_663 = arith.cmpi sge, %get3A_660, %ge3A_662 : vector<16xi32>
    %lt3A_664 = arith.constant 1000 : i32
    %lt3A_665 = vector.broadcast %lt3A_664 : i32 to vector<16xi32>
    %lt3A_666 = arith.cmpi slt, %get3A_660, %lt3A_665 : vector<16xi32>
    %and3A_667 = arith.andi %ge3A_663, %lt3A_666 : vector<16xi1>
    %jit3A_668 = arith.constant 999 : i32
    %broadcast_in_dim3A_669 = vector.broadcast %jit3A_668 : i32 to vector<16xi32>
    %select_n3A_670 = arith.select %and3A_667, %get3A_660, %broadcast_in_dim3A_669 : vector<16xi1>, vector<16xi32>
    %add3A_671 = arith.constant 0 : i32
    %add3A_672 = vector.broadcast %add3A_671 : i32 to vector<16xi32>
    %add3A_673 = arith.addi %add3A_672, %iota3A : vector<16xi32>
    %mul3A_674 = arith.constant 1000 : i32
    %mul3A_675 = vector.broadcast %mul3A_674 : i32 to vector<16xi32>
    %mul3A_676 = arith.muli %add3A_673, %mul3A_675 : vector<16xi32>
    %add3A_677 = arith.addi %mul3A_676, %select_n3A_670 : vector<16xi32>
    tpu.vector_store_idx %arg5[%add3A_677], %broadcast_in_dim3A_7 : memref<32000xf32, #tpu.memory_space<vmem>>[vector<16xi32>], vector<16xf32>,
    %get3A_678 = arith.constant 304 : index
    %get3A_679 = tpu.vector_load %arg8[%get3A_678] {strides = array<i32>} : memref<512xi32, #tpu.memory_space<vmem>>, vector<16xi32>,
    %ge3A_680 = arith.constant 0 : i32
    %ge3A_681 = vector.broadcast %ge3A_680 : i32 to vector<16xi32>
    %ge3A_682 = arith.cmpi sge, %get3A_679, %ge3A_681 : vector<16xi32>
    %lt3A_683 = arith.constant 1000 : i32
    %lt3A_684 = vector.broadcast %lt3A_683 : i32 to vector<16xi32>
    %lt3A_685 = arith.cmpi slt, %get3A_679, %lt3A_684 : vector<16xi32>
    %and3A_686 = arith.andi %ge3A_682, %lt3A_685 : vector<16xi1>
    %jit3A_687 = arith.constant 999 : i32
    %broadcast_in_dim3A_688 = vector.broadcast %jit3A_687 : i32 to vector<16xi32>
    %select_n3A_689 = arith.select %and3A_686, %get3A_679, %broadcast_in_dim3A_688 : vector<16xi1>, vector<16xi32>
    %add3A_690 = arith.constant 16 : i32
    %add3A_691 = vector.broadcast %add3A_690 : i32 to vector<16xi32>
    %add3A_692 = arith.addi %add3A_691, %iota3A : vector<16xi32>
    %mul3A_693 = arith.constant 1000 : i32
    %mul3A_694 = vector.broadcast %mul3A_693 : i32 to vector<16xi32>
    %mul3A_695 = arith.muli %add3A_692, %mul3A_694 : vector<16xi32>
    %add3A_696 = arith.addi %mul3A_695, %select_n3A_689 : vector<16xi32>
    tpu.vector_store_idx %arg5[%add3A_696], %broadcast_in_dim3A_7 : memref<32000xf32, #tpu.memory_space<vmem>>[vector<16xi32>], vector<16xf32>,
    %add3A_697 = arith.constant 288 : i32
    %add3A_698 = arith.addi %mul3A_2, %add3A_697 : i32
    %mul3A_699 = arith.constant 1000 : i32
    %mul3A_700 = arith.muli %add3A_698, %mul3A_699 : i32
    %dma_start3A_701 = tpu.memref_slice %arg3[%mul3A_700] : memref<16384000xf32, #tpu.memory_space<hbm>> -> memref<32000xf32, #tpu.memory_space<hbm>>
    %dma_start3A_702 = tpu.memref_slice %arg3[%mul3A_700] : memref<16384000xf32, #tpu.memory_space<hbm>> -> memref<32000xf32, #tpu.memory_space<hbm>>
    tpu.enqueue_dma source(%arg5 : memref<32000xf32, #tpu.memory_space<vmem>>) target(%dma_start3A_702 : memref<32000xf32, #tpu.memory_space<hbm>>) target_semaphore(%arg10 : memref<!tpu.dma_semaphore, #tpu.memory_space<semaphore_mem>>)
    %dma_wait3A_703 = tpu.memref_slice %arg3[%mul3A_448] : memref<16384000xf32, #tpu.memory_space<hbm>> -> memref<32000xf32, #tpu.memory_space<hbm>>
    %dma_wait3A_704 = tpu.memref_slice %arg3[%mul3A_448] : memref<16384000xf32, #tpu.memory_space<hbm>> -> memref<32000xf32, #tpu.memory_space<hbm>>
    tpu.wait_dma2 semaphore(%arg11 : memref<!tpu.dma_semaphore, #tpu.memory_space<semaphore_mem>>) src(%arg6 : memref<32000xf32, #tpu.memory_space<vmem>>) dst(%dma_wait3A_704 : memref<32000xf32, #tpu.memory_space<hbm>>)
    %get3A_705 = arith.constant 192 : index
    %get3A_706 = tpu.vector_load %arg8[%get3A_705] {strides = array<i32>} : memref<512xi32, #tpu.memory_space<vmem>>, vector<16xi32>,
    %ge3A_707 = arith.constant 0 : i32
    %ge3A_708 = vector.broadcast %ge3A_707 : i32 to vector<16xi32>
    %ge3A_709 = arith.cmpi sge, %get3A_706, %ge3A_708 : vector<16xi32>
    %lt3A_710 = arith.constant 1000 : i32
    %lt3A_711 = vector.broadcast %lt3A_710 : i32 to vector<16xi32>
    %lt3A_712 = arith.cmpi slt, %get3A_706, %lt3A_711 : vector<16xi32>
    %and3A_713 = arith.andi %ge3A_709, %lt3A_712 : vector<16xi1>
    %jit3A_714 = arith.constant 999 : i32
    %broadcast_in_dim3A_715 = vector.broadcast %jit3A_714 : i32 to vector<16xi32>
    %select_n3A_716 = arith.select %and3A_713, %get3A_706, %broadcast_in_dim3A_715 : vector<16xi1>, vector<16xi32>
    %add3A_717 = arith.constant 0 : i32
    %add3A_718 = vector.broadcast %add3A_717 : i32 to vector<16xi32>
    %add3A_719 = arith.addi %add3A_718, %iota3A : vector<16xi32>
    %mul3A_720 = arith.constant 1000 : i32
    %mul3A_721 = vector.broadcast %mul3A_720 : i32 to vector<16xi32>
    %mul3A_722 = arith.muli %add3A_719, %mul3A_721 : vector<16xi32>
    %add3A_723 = arith.addi %mul3A_722, %select_n3A_716 : vector<16xi32>
    tpu.vector_store_idx %arg6[%add3A_723], %broadcast_in_dim3A_5 : memref<32000xf32, #tpu.memory_space<vmem>>[vector<16xi32>], vector<16xf32>,
    %get3A_724 = arith.constant 208 : index
    %get3A_725 = tpu.vector_load %arg8[%get3A_724] {strides = array<i32>} : memref<512xi32, #tpu.memory_space<vmem>>, vector<16xi32>,
    %ge3A_726 = arith.constant 0 : i32
    %ge3A_727 = vector.broadcast %ge3A_726 : i32 to vector<16xi32>
    %ge3A_728 = arith.cmpi sge, %get3A_725, %ge3A_727 : vector<16xi32>
    %lt3A_729 = arith.constant 1000 : i32
    %lt3A_730 = vector.broadcast %lt3A_729 : i32 to vector<16xi32>
    %lt3A_731 = arith.cmpi slt, %get3A_725, %lt3A_730 : vector<16xi32>
    %and3A_732 = arith.andi %ge3A_728, %lt3A_731 : vector<16xi1>
    %jit3A_733 = arith.constant 999 : i32
    %broadcast_in_dim3A_734 = vector.broadcast %jit3A_733 : i32 to vector<16xi32>
    %select_n3A_735 = arith.select %and3A_732, %get3A_725, %broadcast_in_dim3A_734 : vector<16xi1>, vector<16xi32>
    %add3A_736 = arith.constant 16 : i32
    %add3A_737 = vector.broadcast %add3A_736 : i32 to vector<16xi32>
    %add3A_738 = arith.addi %add3A_737, %iota3A : vector<16xi32>
    %mul3A_739 = arith.constant 1000 : i32
    %mul3A_740 = vector.broadcast %mul3A_739 : i32 to vector<16xi32>
    %mul3A_741 = arith.muli %add3A_738, %mul3A_740 : vector<16xi32>
    %add3A_742 = arith.addi %mul3A_741, %select_n3A_735 : vector<16xi32>
    tpu.vector_store_idx %arg6[%add3A_742], %broadcast_in_dim3A_5 : memref<32000xf32, #tpu.memory_space<vmem>>[vector<16xi32>], vector<16xf32>,
    %get3A_743 = arith.constant 320 : index
    %get3A_744 = tpu.vector_load %arg8[%get3A_743] {strides = array<i32>} : memref<512xi32, #tpu.memory_space<vmem>>, vector<16xi32>,
    %ge3A_745 = arith.constant 0 : i32
    %ge3A_746 = vector.broadcast %ge3A_745 : i32 to vector<16xi32>
    %ge3A_747 = arith.cmpi sge, %get3A_744, %ge3A_746 : vector<16xi32>
    %lt3A_748 = arith.constant 1000 : i32
    %lt3A_749 = vector.broadcast %lt3A_748 : i32 to vector<16xi32>
    %lt3A_750 = arith.cmpi slt, %get3A_744, %lt3A_749 : vector<16xi32>
    %and3A_751 = arith.andi %ge3A_747, %lt3A_750 : vector<16xi1>
    %jit3A_752 = arith.constant 999 : i32
    %broadcast_in_dim3A_753 = vector.broadcast %jit3A_752 : i32 to vector<16xi32>
    %select_n3A_754 = arith.select %and3A_751, %get3A_744, %broadcast_in_dim3A_753 : vector<16xi1>, vector<16xi32>
    %add3A_755 = arith.constant 0 : i32
    %add3A_756 = vector.broadcast %add3A_755 : i32 to vector<16xi32>
    %add3A_757 = arith.addi %add3A_756, %iota3A : vector<16xi32>
    %mul3A_758 = arith.constant 1000 : i32
    %mul3A_759 = vector.broadcast %mul3A_758 : i32 to vector<16xi32>
    %mul3A_760 = arith.muli %add3A_757, %mul3A_759 : vector<16xi32>
    %add3A_761 = arith.addi %mul3A_760, %select_n3A_754 : vector<16xi32>
    tpu.vector_store_idx %arg6[%add3A_761], %broadcast_in_dim3A_7 : memref<32000xf32, #tpu.memory_space<vmem>>[vector<16xi32>], vector<16xf32>,
    %get3A_762 = arith.constant 336 : index
    %get3A_763 = tpu.vector_load %arg8[%get3A_762] {strides = array<i32>} : memref<512xi32, #tpu.memory_space<vmem>>, vector<16xi32>,
    %ge3A_764 = arith.constant 0 : i32
    %ge3A_765 = vector.broadcast %ge3A_764 : i32 to vector<16xi32>
    %ge3A_766 = arith.cmpi sge, %get3A_763, %ge3A_765 : vector<16xi32>
    %lt3A_767 = arith.constant 1000 : i32
    %lt3A_768 = vector.broadcast %lt3A_767 : i32 to vector<16xi32>
    %lt3A_769 = arith.cmpi slt, %get3A_763, %lt3A_768 : vector<16xi32>
    %and3A_770 = arith.andi %ge3A_766, %lt3A_769 : vector<16xi1>
    %jit3A_771 = arith.constant 999 : i32
    %broadcast_in_dim3A_772 = vector.broadcast %jit3A_771 : i32 to vector<16xi32>
    %select_n3A_773 = arith.select %and3A_770, %get3A_763, %broadcast_in_dim3A_772 : vector<16xi1>, vector<16xi32>
    %add3A_774 = arith.constant 16 : i32
    %add3A_775 = vector.broadcast %add3A_774 : i32 to vector<16xi32>
    %add3A_776 = arith.addi %add3A_775, %iota3A : vector<16xi32>
    %mul3A_777 = arith.constant 1000 : i32
    %mul3A_778 = vector.broadcast %mul3A_777 : i32 to vector<16xi32>
    %mul3A_779 = arith.muli %add3A_776, %mul3A_778 : vector<16xi32>
    %add3A_780 = arith.addi %mul3A_779, %select_n3A_773 : vector<16xi32>
    tpu.vector_store_idx %arg6[%add3A_780], %broadcast_in_dim3A_7 : memref<32000xf32, #tpu.memory_space<vmem>>[vector<16xi32>], vector<16xf32>,
    %add3A_781 = arith.constant 320 : i32
    %add3A_782 = arith.addi %mul3A_2, %add3A_781 : i32
    %mul3A_783 = arith.constant 1000 : i32
    %mul3A_784 = arith.muli %add3A_782, %mul3A_783 : i32
    %dma_start3A_785 = tpu.memref_slice %arg3[%mul3A_784] : memref<16384000xf32, #tpu.memory_space<hbm>> -> memref<32000xf32, #tpu.memory_space<hbm>>
    %dma_start3A_786 = tpu.memref_slice %arg3[%mul3A_784] : memref<16384000xf32, #tpu.memory_space<hbm>> -> memref<32000xf32, #tpu.memory_space<hbm>>
    tpu.enqueue_dma source(%arg6 : memref<32000xf32, #tpu.memory_space<vmem>>) target(%dma_start3A_786 : memref<32000xf32, #tpu.memory_space<hbm>>) target_semaphore(%arg11 : memref<!tpu.dma_semaphore, #tpu.memory_space<semaphore_mem>>)
    %dma_wait3A_787 = tpu.memref_slice %arg3[%mul3A_532] : memref<16384000xf32, #tpu.memory_space<hbm>> -> memref<32000xf32, #tpu.memory_space<hbm>>
    %dma_wait3A_788 = tpu.memref_slice %arg3[%mul3A_532] : memref<16384000xf32, #tpu.memory_space<hbm>> -> memref<32000xf32, #tpu.memory_space<hbm>>
    tpu.wait_dma2 semaphore(%arg12 : memref<!tpu.dma_semaphore, #tpu.memory_space<semaphore_mem>>) src(%arg7 : memref<32000xf32, #tpu.memory_space<vmem>>) dst(%dma_wait3A_788 : memref<32000xf32, #tpu.memory_space<hbm>>)
    %get3A_789 = arith.constant 224 : index
    %get3A_790 = tpu.vector_load %arg8[%get3A_789] {strides = array<i32>} : memref<512xi32, #tpu.memory_space<vmem>>, vector<16xi32>,
    %ge3A_791 = arith.constant 0 : i32
    %ge3A_792 = vector.broadcast %ge3A_791 : i32 to vector<16xi32>
    %ge3A_793 = arith.cmpi sge, %get3A_790, %ge3A_792 : vector<16xi32>
    %lt3A_794 = arith.constant 1000 : i32
    %lt3A_795 = vector.broadcast %lt3A_794 : i32 to vector<16xi32>
    %lt3A_796 = arith.cmpi slt, %get3A_790, %lt3A_795 : vector<16xi32>
    %and3A_797 = arith.andi %ge3A_793, %lt3A_796 : vector<16xi1>
    %jit3A_798 = arith.constant 999 : i32
    %broadcast_in_dim3A_799 = vector.broadcast %jit3A_798 : i32 to vector<16xi32>
    %select_n3A_800 = arith.select %and3A_797, %get3A_790, %broadcast_in_dim3A_799 : vector<16xi1>, vector<16xi32>
    %add3A_801 = arith.constant 0 : i32
    %add3A_802 = vector.broadcast %add3A_801 : i32 to vector<16xi32>
    %add3A_803 = arith.addi %add3A_802, %iota3A : vector<16xi32>
    %mul3A_804 = arith.constant 1000 : i32
    %mul3A_805 = vector.broadcast %mul3A_804 : i32 to vector<16xi32>
    %mul3A_806 = arith.muli %add3A_803, %mul3A_805 : vector<16xi32>
    %add3A_807 = arith.addi %mul3A_806, %select_n3A_800 : vector<16xi32>
    tpu.vector_store_idx %arg7[%add3A_807], %broadcast_in_dim3A_5 : memref<32000xf32, #tpu.memory_space<vmem>>[vector<16xi32>], vector<16xf32>,
    %get3A_808 = arith.constant 240 : index
    %get3A_809 = tpu.vector_load %arg8[%get3A_808] {strides = array<i32>} : memref<512xi32, #tpu.memory_space<vmem>>, vector<16xi32>,
    %ge3A_810 = arith.constant 0 : i32
    %ge3A_811 = vector.broadcast %ge3A_810 : i32 to vector<16xi32>
    %ge3A_812 = arith.cmpi sge, %get3A_809, %ge3A_811 : vector<16xi32>
    %lt3A_813 = arith.constant 1000 : i32
    %lt3A_814 = vector.broadcast %lt3A_813 : i32 to vector<16xi32>
    %lt3A_815 = arith.cmpi slt, %get3A_809, %lt3A_814 : vector<16xi32>
    %and3A_816 = arith.andi %ge3A_812, %lt3A_815 : vector<16xi1>
    %jit3A_817 = arith.constant 999 : i32
    %broadcast_in_dim3A_818 = vector.broadcast %jit3A_817 : i32 to vector<16xi32>
    %select_n3A_819 = arith.select %and3A_816, %get3A_809, %broadcast_in_dim3A_818 : vector<16xi1>, vector<16xi32>
    %add3A_820 = arith.constant 16 : i32
    %add3A_821 = vector.broadcast %add3A_820 : i32 to vector<16xi32>
    %add3A_822 = arith.addi %add3A_821, %iota3A : vector<16xi32>
    %mul3A_823 = arith.constant 1000 : i32
    %mul3A_824 = vector.broadcast %mul3A_823 : i32 to vector<16xi32>
    %mul3A_825 = arith.muli %add3A_822, %mul3A_824 : vector<16xi32>
    %add3A_826 = arith.addi %mul3A_825, %select_n3A_819 : vector<16xi32>
    tpu.vector_store_idx %arg7[%add3A_826], %broadcast_in_dim3A_5 : memref<32000xf32, #tpu.memory_space<vmem>>[vector<16xi32>], vector<16xf32>,
    %get3A_827 = arith.constant 352 : index
    %get3A_828 = tpu.vector_load %arg8[%get3A_827] {strides = array<i32>} : memref<512xi32, #tpu.memory_space<vmem>>, vector<16xi32>,
    %ge3A_829 = arith.constant 0 : i32
    %ge3A_830 = vector.broadcast %ge3A_829 : i32 to vector<16xi32>
    %ge3A_831 = arith.cmpi sge, %get3A_828, %ge3A_830 : vector<16xi32>
    %lt3A_832 = arith.constant 1000 : i32
    %lt3A_833 = vector.broadcast %lt3A_832 : i32 to vector<16xi32>
    %lt3A_834 = arith.cmpi slt, %get3A_828, %lt3A_833 : vector<16xi32>
    %and3A_835 = arith.andi %ge3A_831, %lt3A_834 : vector<16xi1>
    %jit3A_836 = arith.constant 999 : i32
    %broadcast_in_dim3A_837 = vector.broadcast %jit3A_836 : i32 to vector<16xi32>
    %select_n3A_838 = arith.select %and3A_835, %get3A_828, %broadcast_in_dim3A_837 : vector<16xi1>, vector<16xi32>
    %add3A_839 = arith.constant 0 : i32
    %add3A_840 = vector.broadcast %add3A_839 : i32 to vector<16xi32>
    %add3A_841 = arith.addi %add3A_840, %iota3A : vector<16xi32>
    %mul3A_842 = arith.constant 1000 : i32
    %mul3A_843 = vector.broadcast %mul3A_842 : i32 to vector<16xi32>
    %mul3A_844 = arith.muli %add3A_841, %mul3A_843 : vector<16xi32>
    %add3A_845 = arith.addi %mul3A_844, %select_n3A_838 : vector<16xi32>
    tpu.vector_store_idx %arg7[%add3A_845], %broadcast_in_dim3A_7 : memref<32000xf32, #tpu.memory_space<vmem>>[vector<16xi32>], vector<16xf32>,
    %get3A_846 = arith.constant 368 : index
    %get3A_847 = tpu.vector_load %arg8[%get3A_846] {strides = array<i32>} : memref<512xi32, #tpu.memory_space<vmem>>, vector<16xi32>,
    %ge3A_848 = arith.constant 0 : i32
    %ge3A_849 = vector.broadcast %ge3A_848 : i32 to vector<16xi32>
    %ge3A_850 = arith.cmpi sge, %get3A_847, %ge3A_849 : vector<16xi32>
    %lt3A_851 = arith.constant 1000 : i32
    %lt3A_852 = vector.broadcast %lt3A_851 : i32 to vector<16xi32>
    %lt3A_853 = arith.cmpi slt, %get3A_847, %lt3A_852 : vector<16xi32>
    %and3A_854 = arith.andi %ge3A_850, %lt3A_853 : vector<16xi1>
    %jit3A_855 = arith.constant 999 : i32
    %broadcast_in_dim3A_856 = vector.broadcast %jit3A_855 : i32 to vector<16xi32>
    %select_n3A_857 = arith.select %and3A_854, %get3A_847, %broadcast_in_dim3A_856 : vector<16xi1>, vector<16xi32>
    %add3A_858 = arith.constant 16 : i32
    %add3A_859 = vector.broadcast %add3A_858 : i32 to vector<16xi32>
    %add3A_860 = arith.addi %add3A_859, %iota3A : vector<16xi32>
    %mul3A_861 = arith.constant 1000 : i32
    %mul3A_862 = vector.broadcast %mul3A_861 : i32 to vector<16xi32>
    %mul3A_863 = arith.muli %add3A_860, %mul3A_862 : vector<16xi32>
    %add3A_864 = arith.addi %mul3A_863, %select_n3A_857 : vector<16xi32>
    tpu.vector_store_idx %arg7[%add3A_864], %broadcast_in_dim3A_7 : memref<32000xf32, #tpu.memory_space<vmem>>[vector<16xi32>], vector<16xf32>,
    %add3A_865 = arith.constant 352 : i32
    %add3A_866 = arith.addi %mul3A_2, %add3A_865 : i32
    %mul3A_867 = arith.constant 1000 : i32
    %mul3A_868 = arith.muli %add3A_866, %mul3A_867 : i32
    %dma_start3A_869 = tpu.memref_slice %arg3[%mul3A_868] : memref<16384000xf32, #tpu.memory_space<hbm>> -> memref<32000xf32, #tpu.memory_space<hbm>>
    %dma_start3A_870 = tpu.memref_slice %arg3[%mul3A_868] : memref<16384000xf32, #tpu.memory_space<hbm>> -> memref<32000xf32, #tpu.memory_space<hbm>>
    tpu.enqueue_dma source(%arg7 : memref<32000xf32, #tpu.memory_space<vmem>>) target(%dma_start3A_870 : memref<32000xf32, #tpu.memory_space<hbm>>) target_semaphore(%arg12 : memref<!tpu.dma_semaphore, #tpu.memory_space<semaphore_mem>>)
    %dma_wait3A_871 = tpu.memref_slice %arg3[%mul3A_616] : memref<16384000xf32, #tpu.memory_space<hbm>> -> memref<32000xf32, #tpu.memory_space<hbm>>
    %dma_wait3A_872 = tpu.memref_slice %arg3[%mul3A_616] : memref<16384000xf32, #tpu.memory_space<hbm>> -> memref<32000xf32, #tpu.memory_space<hbm>>
    tpu.wait_dma2 semaphore(%arg9 : memref<!tpu.dma_semaphore, #tpu.memory_space<semaphore_mem>>) src(%arg4 : memref<32000xf32, #tpu.memory_space<vmem>>) dst(%dma_wait3A_872 : memref<32000xf32, #tpu.memory_space<hbm>>)
    %get3A_873 = arith.constant 256 : index
    %get3A_874 = tpu.vector_load %arg8[%get3A_873] {strides = array<i32>} : memref<512xi32, #tpu.memory_space<vmem>>, vector<16xi32>,
    %ge3A_875 = arith.constant 0 : i32
    %ge3A_876 = vector.broadcast %ge3A_875 : i32 to vector<16xi32>
    %ge3A_877 = arith.cmpi sge, %get3A_874, %ge3A_876 : vector<16xi32>
    %lt3A_878 = arith.constant 1000 : i32
    %lt3A_879 = vector.broadcast %lt3A_878 : i32 to vector<16xi32>
    %lt3A_880 = arith.cmpi slt, %get3A_874, %lt3A_879 : vector<16xi32>
    %and3A_881 = arith.andi %ge3A_877, %lt3A_880 : vector<16xi1>
    %jit3A_882 = arith.constant 999 : i32
    %broadcast_in_dim3A_883 = vector.broadcast %jit3A_882 : i32 to vector<16xi32>
    %select_n3A_884 = arith.select %and3A_881, %get3A_874, %broadcast_in_dim3A_883 : vector<16xi1>, vector<16xi32>
    %add3A_885 = arith.constant 0 : i32
    %add3A_886 = vector.broadcast %add3A_885 : i32 to vector<16xi32>
    %add3A_887 = arith.addi %add3A_886, %iota3A : vector<16xi32>
    %mul3A_888 = arith.constant 1000 : i32
    %mul3A_889 = vector.broadcast %mul3A_888 : i32 to vector<16xi32>
    %mul3A_890 = arith.muli %add3A_887, %mul3A_889 : vector<16xi32>
    %add3A_891 = arith.addi %mul3A_890, %select_n3A_884 : vector<16xi32>
    tpu.vector_store_idx %arg4[%add3A_891], %broadcast_in_dim3A_5 : memref<32000xf32, #tpu.memory_space<vmem>>[vector<16xi32>], vector<16xf32>,
    %get3A_892 = arith.constant 272 : index
    %get3A_893 = tpu.vector_load %arg8[%get3A_892] {strides = array<i32>} : memref<512xi32, #tpu.memory_space<vmem>>, vector<16xi32>,
    %ge3A_894 = arith.constant 0 : i32
    %ge3A_895 = vector.broadcast %ge3A_894 : i32 to vector<16xi32>
    %ge3A_896 = arith.cmpi sge, %get3A_893, %ge3A_895 : vector<16xi32>
    %lt3A_897 = arith.constant 1000 : i32
    %lt3A_898 = vector.broadcast %lt3A_897 : i32 to vector<16xi32>
    %lt3A_899 = arith.cmpi slt, %get3A_893, %lt3A_898 : vector<16xi32>
    %and3A_900 = arith.andi %ge3A_896, %lt3A_899 : vector<16xi1>
    %jit3A_901 = arith.constant 999 : i32
    %broadcast_in_dim3A_902 = vector.broadcast %jit3A_901 : i32 to vector<16xi32>
    %select_n3A_903 = arith.select %and3A_900, %get3A_893, %broadcast_in_dim3A_902 : vector<16xi1>, vector<16xi32>
    %add3A_904 = arith.constant 16 : i32
    %add3A_905 = vector.broadcast %add3A_904 : i32 to vector<16xi32>
    %add3A_906 = arith.addi %add3A_905, %iota3A : vector<16xi32>
    %mul3A_907 = arith.constant 1000 : i32
    %mul3A_908 = vector.broadcast %mul3A_907 : i32 to vector<16xi32>
    %mul3A_909 = arith.muli %add3A_906, %mul3A_908 : vector<16xi32>
    %add3A_910 = arith.addi %mul3A_909, %select_n3A_903 : vector<16xi32>
    tpu.vector_store_idx %arg4[%add3A_910], %broadcast_in_dim3A_5 : memref<32000xf32, #tpu.memory_space<vmem>>[vector<16xi32>], vector<16xf32>,
    %get3A_911 = arith.constant 384 : index
    %get3A_912 = tpu.vector_load %arg8[%get3A_911] {strides = array<i32>} : memref<512xi32, #tpu.memory_space<vmem>>, vector<16xi32>,
    %ge3A_913 = arith.constant 0 : i32
    %ge3A_914 = vector.broadcast %ge3A_913 : i32 to vector<16xi32>
    %ge3A_915 = arith.cmpi sge, %get3A_912, %ge3A_914 : vector<16xi32>
    %lt3A_916 = arith.constant 1000 : i32
    %lt3A_917 = vector.broadcast %lt3A_916 : i32 to vector<16xi32>
    %lt3A_918 = arith.cmpi slt, %get3A_912, %lt3A_917 : vector<16xi32>
    %and3A_919 = arith.andi %ge3A_915, %lt3A_918 : vector<16xi1>
    %jit3A_920 = arith.constant 999 : i32
    %broadcast_in_dim3A_921 = vector.broadcast %jit3A_920 : i32 to vector<16xi32>
    %select_n3A_922 = arith.select %and3A_919, %get3A_912, %broadcast_in_dim3A_921 : vector<16xi1>, vector<16xi32>
    %add3A_923 = arith.constant 0 : i32
    %add3A_924 = vector.broadcast %add3A_923 : i32 to vector<16xi32>
    %add3A_925 = arith.addi %add3A_924, %iota3A : vector<16xi32>
    %mul3A_926 = arith.constant 1000 : i32
    %mul3A_927 = vector.broadcast %mul3A_926 : i32 to vector<16xi32>
    %mul3A_928 = arith.muli %add3A_925, %mul3A_927 : vector<16xi32>
    %add3A_929 = arith.addi %mul3A_928, %select_n3A_922 : vector<16xi32>
    tpu.vector_store_idx %arg4[%add3A_929], %broadcast_in_dim3A_7 : memref<32000xf32, #tpu.memory_space<vmem>>[vector<16xi32>], vector<16xf32>,
    %get3A_930 = arith.constant 400 : index
    %get3A_931 = tpu.vector_load %arg8[%get3A_930] {strides = array<i32>} : memref<512xi32, #tpu.memory_space<vmem>>, vector<16xi32>,
    %ge3A_932 = arith.constant 0 : i32
    %ge3A_933 = vector.broadcast %ge3A_932 : i32 to vector<16xi32>
    %ge3A_934 = arith.cmpi sge, %get3A_931, %ge3A_933 : vector<16xi32>
    %lt3A_935 = arith.constant 1000 : i32
    %lt3A_936 = vector.broadcast %lt3A_935 : i32 to vector<16xi32>
    %lt3A_937 = arith.cmpi slt, %get3A_931, %lt3A_936 : vector<16xi32>
    %and3A_938 = arith.andi %ge3A_934, %lt3A_937 : vector<16xi1>
    %jit3A_939 = arith.constant 999 : i32
    %broadcast_in_dim3A_940 = vector.broadcast %jit3A_939 : i32 to vector<16xi32>
    %select_n3A_941 = arith.select %and3A_938, %get3A_931, %broadcast_in_dim3A_940 : vector<16xi1>, vector<16xi32>
    %add3A_942 = arith.constant 16 : i32
    %add3A_943 = vector.broadcast %add3A_942 : i32 to vector<16xi32>
    %add3A_944 = arith.addi %add3A_943, %iota3A : vector<16xi32>
    %mul3A_945 = arith.constant 1000 : i32
    %mul3A_946 = vector.broadcast %mul3A_945 : i32 to vector<16xi32>
    %mul3A_947 = arith.muli %add3A_944, %mul3A_946 : vector<16xi32>
    %add3A_948 = arith.addi %mul3A_947, %select_n3A_941 : vector<16xi32>
    tpu.vector_store_idx %arg4[%add3A_948], %broadcast_in_dim3A_7 : memref<32000xf32, #tpu.memory_space<vmem>>[vector<16xi32>], vector<16xf32>,
    %add3A_949 = arith.constant 384 : i32
    %add3A_950 = arith.addi %mul3A_2, %add3A_949 : i32
    %mul3A_951 = arith.constant 1000 : i32
    %mul3A_952 = arith.muli %add3A_950, %mul3A_951 : i32
    %dma_start3A_953 = tpu.memref_slice %arg3[%mul3A_952] : memref<16384000xf32, #tpu.memory_space<hbm>> -> memref<32000xf32, #tpu.memory_space<hbm>>
    %dma_start3A_954 = tpu.memref_slice %arg3[%mul3A_952] : memref<16384000xf32, #tpu.memory_space<hbm>> -> memref<32000xf32, #tpu.memory_space<hbm>>
    tpu.enqueue_dma source(%arg4 : memref<32000xf32, #tpu.memory_space<vmem>>) target(%dma_start3A_954 : memref<32000xf32, #tpu.memory_space<hbm>>) target_semaphore(%arg9 : memref<!tpu.dma_semaphore, #tpu.memory_space<semaphore_mem>>)
    %dma_wait3A_955 = tpu.memref_slice %arg3[%mul3A_700] : memref<16384000xf32, #tpu.memory_space<hbm>> -> memref<32000xf32, #tpu.memory_space<hbm>>
    %dma_wait3A_956 = tpu.memref_slice %arg3[%mul3A_700] : memref<16384000xf32, #tpu.memory_space<hbm>> -> memref<32000xf32, #tpu.memory_space<hbm>>
    tpu.wait_dma2 semaphore(%arg10 : memref<!tpu.dma_semaphore, #tpu.memory_space<semaphore_mem>>) src(%arg5 : memref<32000xf32, #tpu.memory_space<vmem>>) dst(%dma_wait3A_956 : memref<32000xf32, #tpu.memory_space<hbm>>)
    %get3A_957 = arith.constant 288 : index
    %get3A_958 = tpu.vector_load %arg8[%get3A_957] {strides = array<i32>} : memref<512xi32, #tpu.memory_space<vmem>>, vector<16xi32>,
    %ge3A_959 = arith.constant 0 : i32
    %ge3A_960 = vector.broadcast %ge3A_959 : i32 to vector<16xi32>
    %ge3A_961 = arith.cmpi sge, %get3A_958, %ge3A_960 : vector<16xi32>
    %lt3A_962 = arith.constant 1000 : i32
    %lt3A_963 = vector.broadcast %lt3A_962 : i32 to vector<16xi32>
    %lt3A_964 = arith.cmpi slt, %get3A_958, %lt3A_963 : vector<16xi32>
    %and3A_965 = arith.andi %ge3A_961, %lt3A_964 : vector<16xi1>
    %jit3A_966 = arith.constant 999 : i32
    %broadcast_in_dim3A_967 = vector.broadcast %jit3A_966 : i32 to vector<16xi32>
    %select_n3A_968 = arith.select %and3A_965, %get3A_958, %broadcast_in_dim3A_967 : vector<16xi1>, vector<16xi32>
    %add3A_969 = arith.constant 0 : i32
    %add3A_970 = vector.broadcast %add3A_969 : i32 to vector<16xi32>
    %add3A_971 = arith.addi %add3A_970, %iota3A : vector<16xi32>
    %mul3A_972 = arith.constant 1000 : i32
    %mul3A_973 = vector.broadcast %mul3A_972 : i32 to vector<16xi32>
    %mul3A_974 = arith.muli %add3A_971, %mul3A_973 : vector<16xi32>
    %add3A_975 = arith.addi %mul3A_974, %select_n3A_968 : vector<16xi32>
    tpu.vector_store_idx %arg5[%add3A_975], %broadcast_in_dim3A_5 : memref<32000xf32, #tpu.memory_space<vmem>>[vector<16xi32>], vector<16xf32>,
    %get3A_976 = arith.constant 304 : index
    %get3A_977 = tpu.vector_load %arg8[%get3A_976] {strides = array<i32>} : memref<512xi32, #tpu.memory_space<vmem>>, vector<16xi32>,
    %ge3A_978 = arith.constant 0 : i32
    %ge3A_979 = vector.broadcast %ge3A_978 : i32 to vector<16xi32>
    %ge3A_980 = arith.cmpi sge, %get3A_977, %ge3A_979 : vector<16xi32>
    %lt3A_981 = arith.constant 1000 : i32
    %lt3A_982 = vector.broadcast %lt3A_981 : i32 to vector<16xi32>
    %lt3A_983 = arith.cmpi slt, %get3A_977, %lt3A_982 : vector<16xi32>
    %and3A_984 = arith.andi %ge3A_980, %lt3A_983 : vector<16xi1>
    %jit3A_985 = arith.constant 999 : i32
    %broadcast_in_dim3A_986 = vector.broadcast %jit3A_985 : i32 to vector<16xi32>
    %select_n3A_987 = arith.select %and3A_984, %get3A_977, %broadcast_in_dim3A_986 : vector<16xi1>, vector<16xi32>
    %add3A_988 = arith.constant 16 : i32
    %add3A_989 = vector.broadcast %add3A_988 : i32 to vector<16xi32>
    %add3A_990 = arith.addi %add3A_989, %iota3A : vector<16xi32>
    %mul3A_991 = arith.constant 1000 : i32
    %mul3A_992 = vector.broadcast %mul3A_991 : i32 to vector<16xi32>
    %mul3A_993 = arith.muli %add3A_990, %mul3A_992 : vector<16xi32>
    %add3A_994 = arith.addi %mul3A_993, %select_n3A_987 : vector<16xi32>
    tpu.vector_store_idx %arg5[%add3A_994], %broadcast_in_dim3A_5 : memref<32000xf32, #tpu.memory_space<vmem>>[vector<16xi32>], vector<16xf32>,
    %get3A_995 = arith.constant 416 : index
    %get3A_996 = tpu.vector_load %arg8[%get3A_995] {strides = array<i32>} : memref<512xi32, #tpu.memory_space<vmem>>, vector<16xi32>,
    %ge3A_997 = arith.constant 0 : i32
    %ge3A_998 = vector.broadcast %ge3A_997 : i32 to vector<16xi32>
    %ge3A_999 = arith.cmpi sge, %get3A_996, %ge3A_998 : vector<16xi32>
    %lt3A_1000 = arith.constant 1000 : i32
    %lt3A_1001 = vector.broadcast %lt3A_1000 : i32 to vector<16xi32>
    %lt3A_1002 = arith.cmpi slt, %get3A_996, %lt3A_1001 : vector<16xi32>
    %and3A_1003 = arith.andi %ge3A_999, %lt3A_1002 : vector<16xi1>
    %jit3A_1004 = arith.constant 999 : i32
    %broadcast_in_dim3A_1005 = vector.broadcast %jit3A_1004 : i32 to vector<16xi32>
    %select_n3A_1006 = arith.select %and3A_1003, %get3A_996, %broadcast_in_dim3A_1005 : vector<16xi1>, vector<16xi32>
    %add3A_1007 = arith.constant 0 : i32
    %add3A_1008 = vector.broadcast %add3A_1007 : i32 to vector<16xi32>
    %add3A_1009 = arith.addi %add3A_1008, %iota3A : vector<16xi32>
    %mul3A_1010 = arith.constant 1000 : i32
    %mul3A_1011 = vector.broadcast %mul3A_1010 : i32 to vector<16xi32>
    %mul3A_1012 = arith.muli %add3A_1009, %mul3A_1011 : vector<16xi32>
    %add3A_1013 = arith.addi %mul3A_1012, %select_n3A_1006 : vector<16xi32>
    tpu.vector_store_idx %arg5[%add3A_1013], %broadcast_in_dim3A_7 : memref<32000xf32, #tpu.memory_space<vmem>>[vector<16xi32>], vector<16xf32>,
    %get3A_1014 = arith.constant 432 : index
    %get3A_1015 = tpu.vector_load %arg8[%get3A_1014] {strides = array<i32>} : memref<512xi32, #tpu.memory_space<vmem>>, vector<16xi32>,
    %ge3A_1016 = arith.constant 0 : i32
    %ge3A_1017 = vector.broadcast %ge3A_1016 : i32 to vector<16xi32>
    %ge3A_1018 = arith.cmpi sge, %get3A_1015, %ge3A_1017 : vector<16xi32>
    %lt3A_1019 = arith.constant 1000 : i32
    %lt3A_1020 = vector.broadcast %lt3A_1019 : i32 to vector<16xi32>
    %lt3A_1021 = arith.cmpi slt, %get3A_1015, %lt3A_1020 : vector<16xi32>
    %and3A_1022 = arith.andi %ge3A_1018, %lt3A_1021 : vector<16xi1>
    %jit3A_1023 = arith.constant 999 : i32
    %broadcast_in_dim3A_1024 = vector.broadcast %jit3A_1023 : i32 to vector<16xi32>
    %select_n3A_1025 = arith.select %and3A_1022, %get3A_1015, %broadcast_in_dim3A_1024 : vector<16xi1>, vector<16xi32>
    %add3A_1026 = arith.constant 16 : i32
    %add3A_1027 = vector.broadcast %add3A_1026 : i32 to vector<16xi32>
    %add3A_1028 = arith.addi %add3A_1027, %iota3A : vector<16xi32>
    %mul3A_1029 = arith.constant 1000 : i32
    %mul3A_1030 = vector.broadcast %mul3A_1029 : i32 to vector<16xi32>
    %mul3A_1031 = arith.muli %add3A_1028, %mul3A_1030 : vector<16xi32>
    %add3A_1032 = arith.addi %mul3A_1031, %select_n3A_1025 : vector<16xi32>
    tpu.vector_store_idx %arg5[%add3A_1032], %broadcast_in_dim3A_7 : memref<32000xf32, #tpu.memory_space<vmem>>[vector<16xi32>], vector<16xf32>,
    %add3A_1033 = arith.constant 416 : i32
    %add3A_1034 = arith.addi %mul3A_2, %add3A_1033 : i32
    %mul3A_1035 = arith.constant 1000 : i32
    %mul3A_1036 = arith.muli %add3A_1034, %mul3A_1035 : i32
    %dma_start3A_1037 = tpu.memref_slice %arg3[%mul3A_1036] : memref<16384000xf32, #tpu.memory_space<hbm>> -> memref<32000xf32, #tpu.memory_space<hbm>>
    %dma_start3A_1038 = tpu.memref_slice %arg3[%mul3A_1036] : memref<16384000xf32, #tpu.memory_space<hbm>> -> memref<32000xf32, #tpu.memory_space<hbm>>
    tpu.enqueue_dma source(%arg5 : memref<32000xf32, #tpu.memory_space<vmem>>) target(%dma_start3A_1038 : memref<32000xf32, #tpu.memory_space<hbm>>) target_semaphore(%arg10 : memref<!tpu.dma_semaphore, #tpu.memory_space<semaphore_mem>>)
    %dma_wait3A_1039 = tpu.memref_slice %arg3[%mul3A_784] : memref<16384000xf32, #tpu.memory_space<hbm>> -> memref<32000xf32, #tpu.memory_space<hbm>>
    %dma_wait3A_1040 = tpu.memref_slice %arg3[%mul3A_784] : memref<16384000xf32, #tpu.memory_space<hbm>> -> memref<32000xf32, #tpu.memory_space<hbm>>
    tpu.wait_dma2 semaphore(%arg11 : memref<!tpu.dma_semaphore, #tpu.memory_space<semaphore_mem>>) src(%arg6 : memref<32000xf32, #tpu.memory_space<vmem>>) dst(%dma_wait3A_1040 : memref<32000xf32, #tpu.memory_space<hbm>>)
    %get3A_1041 = arith.constant 320 : index
    %get3A_1042 = tpu.vector_load %arg8[%get3A_1041] {strides = array<i32>} : memref<512xi32, #tpu.memory_space<vmem>>, vector<16xi32>,
    %ge3A_1043 = arith.constant 0 : i32
    %ge3A_1044 = vector.broadcast %ge3A_1043 : i32 to vector<16xi32>
    %ge3A_1045 = arith.cmpi sge, %get3A_1042, %ge3A_1044 : vector<16xi32>
    %lt3A_1046 = arith.constant 1000 : i32
    %lt3A_1047 = vector.broadcast %lt3A_1046 : i32 to vector<16xi32>
    %lt3A_1048 = arith.cmpi slt, %get3A_1042, %lt3A_1047 : vector<16xi32>
    %and3A_1049 = arith.andi %ge3A_1045, %lt3A_1048 : vector<16xi1>
    %jit3A_1050 = arith.constant 999 : i32
    %broadcast_in_dim3A_1051 = vector.broadcast %jit3A_1050 : i32 to vector<16xi32>
    %select_n3A_1052 = arith.select %and3A_1049, %get3A_1042, %broadcast_in_dim3A_1051 : vector<16xi1>, vector<16xi32>
    %add3A_1053 = arith.constant 0 : i32
    %add3A_1054 = vector.broadcast %add3A_1053 : i32 to vector<16xi32>
    %add3A_1055 = arith.addi %add3A_1054, %iota3A : vector<16xi32>
    %mul3A_1056 = arith.constant 1000 : i32
    %mul3A_1057 = vector.broadcast %mul3A_1056 : i32 to vector<16xi32>
    %mul3A_1058 = arith.muli %add3A_1055, %mul3A_1057 : vector<16xi32>
    %add3A_1059 = arith.addi %mul3A_1058, %select_n3A_1052 : vector<16xi32>
    tpu.vector_store_idx %arg6[%add3A_1059], %broadcast_in_dim3A_5 : memref<32000xf32, #tpu.memory_space<vmem>>[vector<16xi32>], vector<16xf32>,
    %get3A_1060 = arith.constant 336 : index
    %get3A_1061 = tpu.vector_load %arg8[%get3A_1060] {strides = array<i32>} : memref<512xi32, #tpu.memory_space<vmem>>, vector<16xi32>,
    %ge3A_1062 = arith.constant 0 : i32
    %ge3A_1063 = vector.broadcast %ge3A_1062 : i32 to vector<16xi32>
    %ge3A_1064 = arith.cmpi sge, %get3A_1061, %ge3A_1063 : vector<16xi32>
    %lt3A_1065 = arith.constant 1000 : i32
    %lt3A_1066 = vector.broadcast %lt3A_1065 : i32 to vector<16xi32>
    %lt3A_1067 = arith.cmpi slt, %get3A_1061, %lt3A_1066 : vector<16xi32>
    %and3A_1068 = arith.andi %ge3A_1064, %lt3A_1067 : vector<16xi1>
    %jit3A_1069 = arith.constant 999 : i32
    %broadcast_in_dim3A_1070 = vector.broadcast %jit3A_1069 : i32 to vector<16xi32>
    %select_n3A_1071 = arith.select %and3A_1068, %get3A_1061, %broadcast_in_dim3A_1070 : vector<16xi1>, vector<16xi32>
    %add3A_1072 = arith.constant 16 : i32
    %add3A_1073 = vector.broadcast %add3A_1072 : i32 to vector<16xi32>
    %add3A_1074 = arith.addi %add3A_1073, %iota3A : vector<16xi32>
    %mul3A_1075 = arith.constant 1000 : i32
    %mul3A_1076 = vector.broadcast %mul3A_1075 : i32 to vector<16xi32>
    %mul3A_1077 = arith.muli %add3A_1074, %mul3A_1076 : vector<16xi32>
    %add3A_1078 = arith.addi %mul3A_1077, %select_n3A_1071 : vector<16xi32>
    tpu.vector_store_idx %arg6[%add3A_1078], %broadcast_in_dim3A_5 : memref<32000xf32, #tpu.memory_space<vmem>>[vector<16xi32>], vector<16xf32>,
    %get3A_1079 = arith.constant 448 : index
    %get3A_1080 = tpu.vector_load %arg8[%get3A_1079] {strides = array<i32>} : memref<512xi32, #tpu.memory_space<vmem>>, vector<16xi32>,
    %ge3A_1081 = arith.constant 0 : i32
    %ge3A_1082 = vector.broadcast %ge3A_1081 : i32 to vector<16xi32>
    %ge3A_1083 = arith.cmpi sge, %get3A_1080, %ge3A_1082 : vector<16xi32>
    %lt3A_1084 = arith.constant 1000 : i32
    %lt3A_1085 = vector.broadcast %lt3A_1084 : i32 to vector<16xi32>
    %lt3A_1086 = arith.cmpi slt, %get3A_1080, %lt3A_1085 : vector<16xi32>
    %and3A_1087 = arith.andi %ge3A_1083, %lt3A_1086 : vector<16xi1>
    %jit3A_1088 = arith.constant 999 : i32
    %broadcast_in_dim3A_1089 = vector.broadcast %jit3A_1088 : i32 to vector<16xi32>
    %select_n3A_1090 = arith.select %and3A_1087, %get3A_1080, %broadcast_in_dim3A_1089 : vector<16xi1>, vector<16xi32>
    %add3A_1091 = arith.constant 0 : i32
    %add3A_1092 = vector.broadcast %add3A_1091 : i32 to vector<16xi32>
    %add3A_1093 = arith.addi %add3A_1092, %iota3A : vector<16xi32>
    %mul3A_1094 = arith.constant 1000 : i32
    %mul3A_1095 = vector.broadcast %mul3A_1094 : i32 to vector<16xi32>
    %mul3A_1096 = arith.muli %add3A_1093, %mul3A_1095 : vector<16xi32>
    %add3A_1097 = arith.addi %mul3A_1096, %select_n3A_1090 : vector<16xi32>
    tpu.vector_store_idx %arg6[%add3A_1097], %broadcast_in_dim3A_7 : memref<32000xf32, #tpu.memory_space<vmem>>[vector<16xi32>], vector<16xf32>,
    %get3A_1098 = arith.constant 464 : index
    %get3A_1099 = tpu.vector_load %arg8[%get3A_1098] {strides = array<i32>} : memref<512xi32, #tpu.memory_space<vmem>>, vector<16xi32>,
    %ge3A_1100 = arith.constant 0 : i32
    %ge3A_1101 = vector.broadcast %ge3A_1100 : i32 to vector<16xi32>
    %ge3A_1102 = arith.cmpi sge, %get3A_1099, %ge3A_1101 : vector<16xi32>
    %lt3A_1103 = arith.constant 1000 : i32
    %lt3A_1104 = vector.broadcast %lt3A_1103 : i32 to vector<16xi32>
    %lt3A_1105 = arith.cmpi slt, %get3A_1099, %lt3A_1104 : vector<16xi32>
    %and3A_1106 = arith.andi %ge3A_1102, %lt3A_1105 : vector<16xi1>
    %jit3A_1107 = arith.constant 999 : i32
    %broadcast_in_dim3A_1108 = vector.broadcast %jit3A_1107 : i32 to vector<16xi32>
    %select_n3A_1109 = arith.select %and3A_1106, %get3A_1099, %broadcast_in_dim3A_1108 : vector<16xi1>, vector<16xi32>
    %add3A_1110 = arith.constant 16 : i32
    %add3A_1111 = vector.broadcast %add3A_1110 : i32 to vector<16xi32>
    %add3A_1112 = arith.addi %add3A_1111, %iota3A : vector<16xi32>
    %mul3A_1113 = arith.constant 1000 : i32
    %mul3A_1114 = vector.broadcast %mul3A_1113 : i32 to vector<16xi32>
    %mul3A_1115 = arith.muli %add3A_1112, %mul3A_1114 : vector<16xi32>
    %add3A_1116 = arith.addi %mul3A_1115, %select_n3A_1109 : vector<16xi32>
    tpu.vector_store_idx %arg6[%add3A_1116], %broadcast_in_dim3A_7 : memref<32000xf32, #tpu.memory_space<vmem>>[vector<16xi32>], vector<16xf32>,
    %add3A_1117 = arith.constant 448 : i32
    %add3A_1118 = arith.addi %mul3A_2, %add3A_1117 : i32
    %mul3A_1119 = arith.constant 1000 : i32
    %mul3A_1120 = arith.muli %add3A_1118, %mul3A_1119 : i32
    %dma_start3A_1121 = tpu.memref_slice %arg3[%mul3A_1120] : memref<16384000xf32, #tpu.memory_space<hbm>> -> memref<32000xf32, #tpu.memory_space<hbm>>
    %dma_start3A_1122 = tpu.memref_slice %arg3[%mul3A_1120] : memref<16384000xf32, #tpu.memory_space<hbm>> -> memref<32000xf32, #tpu.memory_space<hbm>>
    tpu.enqueue_dma source(%arg6 : memref<32000xf32, #tpu.memory_space<vmem>>) target(%dma_start3A_1122 : memref<32000xf32, #tpu.memory_space<hbm>>) target_semaphore(%arg11 : memref<!tpu.dma_semaphore, #tpu.memory_space<semaphore_mem>>)
    %dma_wait3A_1123 = tpu.memref_slice %arg3[%mul3A_868] : memref<16384000xf32, #tpu.memory_space<hbm>> -> memref<32000xf32, #tpu.memory_space<hbm>>
    %dma_wait3A_1124 = tpu.memref_slice %arg3[%mul3A_868] : memref<16384000xf32, #tpu.memory_space<hbm>> -> memref<32000xf32, #tpu.memory_space<hbm>>
    tpu.wait_dma2 semaphore(%arg12 : memref<!tpu.dma_semaphore, #tpu.memory_space<semaphore_mem>>) src(%arg7 : memref<32000xf32, #tpu.memory_space<vmem>>) dst(%dma_wait3A_1124 : memref<32000xf32, #tpu.memory_space<hbm>>)
    %get3A_1125 = arith.constant 352 : index
    %get3A_1126 = tpu.vector_load %arg8[%get3A_1125] {strides = array<i32>} : memref<512xi32, #tpu.memory_space<vmem>>, vector<16xi32>,
    %ge3A_1127 = arith.constant 0 : i32
    %ge3A_1128 = vector.broadcast %ge3A_1127 : i32 to vector<16xi32>
    %ge3A_1129 = arith.cmpi sge, %get3A_1126, %ge3A_1128 : vector<16xi32>
    %lt3A_1130 = arith.constant 1000 : i32
    %lt3A_1131 = vector.broadcast %lt3A_1130 : i32 to vector<16xi32>
    %lt3A_1132 = arith.cmpi slt, %get3A_1126, %lt3A_1131 : vector<16xi32>
    %and3A_1133 = arith.andi %ge3A_1129, %lt3A_1132 : vector<16xi1>
    %jit3A_1134 = arith.constant 999 : i32
    %broadcast_in_dim3A_1135 = vector.broadcast %jit3A_1134 : i32 to vector<16xi32>
    %select_n3A_1136 = arith.select %and3A_1133, %get3A_1126, %broadcast_in_dim3A_1135 : vector<16xi1>, vector<16xi32>
    %add3A_1137 = arith.constant 0 : i32
    %add3A_1138 = vector.broadcast %add3A_1137 : i32 to vector<16xi32>
    %add3A_1139 = arith.addi %add3A_1138, %iota3A : vector<16xi32>
    %mul3A_1140 = arith.constant 1000 : i32
    %mul3A_1141 = vector.broadcast %mul3A_1140 : i32 to vector<16xi32>
    %mul3A_1142 = arith.muli %add3A_1139, %mul3A_1141 : vector<16xi32>
    %add3A_1143 = arith.addi %mul3A_1142, %select_n3A_1136 : vector<16xi32>
    tpu.vector_store_idx %arg7[%add3A_1143], %broadcast_in_dim3A_5 : memref<32000xf32, #tpu.memory_space<vmem>>[vector<16xi32>], vector<16xf32>,
    %get3A_1144 = arith.constant 368 : index
    %get3A_1145 = tpu.vector_load %arg8[%get3A_1144] {strides = array<i32>} : memref<512xi32, #tpu.memory_space<vmem>>, vector<16xi32>,
    %ge3A_1146 = arith.constant 0 : i32
    %ge3A_1147 = vector.broadcast %ge3A_1146 : i32 to vector<16xi32>
    %ge3A_1148 = arith.cmpi sge, %get3A_1145, %ge3A_1147 : vector<16xi32>
    %lt3A_1149 = arith.constant 1000 : i32
    %lt3A_1150 = vector.broadcast %lt3A_1149 : i32 to vector<16xi32>
    %lt3A_1151 = arith.cmpi slt, %get3A_1145, %lt3A_1150 : vector<16xi32>
    %and3A_1152 = arith.andi %ge3A_1148, %lt3A_1151 : vector<16xi1>
    %jit3A_1153 = arith.constant 999 : i32
    %broadcast_in_dim3A_1154 = vector.broadcast %jit3A_1153 : i32 to vector<16xi32>
    %select_n3A_1155 = arith.select %and3A_1152, %get3A_1145, %broadcast_in_dim3A_1154 : vector<16xi1>, vector<16xi32>
    %add3A_1156 = arith.constant 16 : i32
    %add3A_1157 = vector.broadcast %add3A_1156 : i32 to vector<16xi32>
    %add3A_1158 = arith.addi %add3A_1157, %iota3A : vector<16xi32>
    %mul3A_1159 = arith.constant 1000 : i32
    %mul3A_1160 = vector.broadcast %mul3A_1159 : i32 to vector<16xi32>
    %mul3A_1161 = arith.muli %add3A_1158, %mul3A_1160 : vector<16xi32>
    %add3A_1162 = arith.addi %mul3A_1161, %select_n3A_1155 : vector<16xi32>
    tpu.vector_store_idx %arg7[%add3A_1162], %broadcast_in_dim3A_5 : memref<32000xf32, #tpu.memory_space<vmem>>[vector<16xi32>], vector<16xf32>,
    %get3A_1163 = arith.constant 480 : index
    %get3A_1164 = tpu.vector_load %arg8[%get3A_1163] {strides = array<i32>} : memref<512xi32, #tpu.memory_space<vmem>>, vector<16xi32>,
    %ge3A_1165 = arith.constant 0 : i32
    %ge3A_1166 = vector.broadcast %ge3A_1165 : i32 to vector<16xi32>
    %ge3A_1167 = arith.cmpi sge, %get3A_1164, %ge3A_1166 : vector<16xi32>
    %lt3A_1168 = arith.constant 1000 : i32
    %lt3A_1169 = vector.broadcast %lt3A_1168 : i32 to vector<16xi32>
    %lt3A_1170 = arith.cmpi slt, %get3A_1164, %lt3A_1169 : vector<16xi32>
    %and3A_1171 = arith.andi %ge3A_1167, %lt3A_1170 : vector<16xi1>
    %jit3A_1172 = arith.constant 999 : i32
    %broadcast_in_dim3A_1173 = vector.broadcast %jit3A_1172 : i32 to vector<16xi32>
    %select_n3A_1174 = arith.select %and3A_1171, %get3A_1164, %broadcast_in_dim3A_1173 : vector<16xi1>, vector<16xi32>
    %add3A_1175 = arith.constant 0 : i32
    %add3A_1176 = vector.broadcast %add3A_1175 : i32 to vector<16xi32>
    %add3A_1177 = arith.addi %add3A_1176, %iota3A : vector<16xi32>
    %mul3A_1178 = arith.constant 1000 : i32
    %mul3A_1179 = vector.broadcast %mul3A_1178 : i32 to vector<16xi32>
    %mul3A_1180 = arith.muli %add3A_1177, %mul3A_1179 : vector<16xi32>
    %add3A_1181 = arith.addi %mul3A_1180, %select_n3A_1174 : vector<16xi32>
    tpu.vector_store_idx %arg7[%add3A_1181], %broadcast_in_dim3A_7 : memref<32000xf32, #tpu.memory_space<vmem>>[vector<16xi32>], vector<16xf32>,
    %get3A_1182 = arith.constant 496 : index
    %get3A_1183 = tpu.vector_load %arg8[%get3A_1182] {strides = array<i32>} : memref<512xi32, #tpu.memory_space<vmem>>, vector<16xi32>,
    %ge3A_1184 = arith.constant 0 : i32
    %ge3A_1185 = vector.broadcast %ge3A_1184 : i32 to vector<16xi32>
    %ge3A_1186 = arith.cmpi sge, %get3A_1183, %ge3A_1185 : vector<16xi32>
    %lt3A_1187 = arith.constant 1000 : i32
    %lt3A_1188 = vector.broadcast %lt3A_1187 : i32 to vector<16xi32>
    %lt3A_1189 = arith.cmpi slt, %get3A_1183, %lt3A_1188 : vector<16xi32>
    %and3A_1190 = arith.andi %ge3A_1186, %lt3A_1189 : vector<16xi1>
    %jit3A_1191 = arith.constant 999 : i32
    %broadcast_in_dim3A_1192 = vector.broadcast %jit3A_1191 : i32 to vector<16xi32>
    %select_n3A_1193 = arith.select %and3A_1190, %get3A_1183, %broadcast_in_dim3A_1192 : vector<16xi1>, vector<16xi32>
    %add3A_1194 = arith.constant 16 : i32
    %add3A_1195 = vector.broadcast %add3A_1194 : i32 to vector<16xi32>
    %add3A_1196 = arith.addi %add3A_1195, %iota3A : vector<16xi32>
    %mul3A_1197 = arith.constant 1000 : i32
    %mul3A_1198 = vector.broadcast %mul3A_1197 : i32 to vector<16xi32>
    %mul3A_1199 = arith.muli %add3A_1196, %mul3A_1198 : vector<16xi32>
    %add3A_1200 = arith.addi %mul3A_1199, %select_n3A_1193 : vector<16xi32>
    tpu.vector_store_idx %arg7[%add3A_1200], %broadcast_in_dim3A_7 : memref<32000xf32, #tpu.memory_space<vmem>>[vector<16xi32>], vector<16xf32>,
    %add3A_1201 = arith.constant 480 : i32
    %add3A_1202 = arith.addi %mul3A_2, %add3A_1201 : i32
    %mul3A_1203 = arith.constant 1000 : i32
    %mul3A_1204 = arith.muli %add3A_1202, %mul3A_1203 : i32
    %dma_start3A_1205 = tpu.memref_slice %arg3[%mul3A_1204] : memref<16384000xf32, #tpu.memory_space<hbm>> -> memref<32000xf32, #tpu.memory_space<hbm>>
    %dma_start3A_1206 = tpu.memref_slice %arg3[%mul3A_1204] : memref<16384000xf32, #tpu.memory_space<hbm>> -> memref<32000xf32, #tpu.memory_space<hbm>>
    tpu.enqueue_dma source(%arg7 : memref<32000xf32, #tpu.memory_space<vmem>>) target(%dma_start3A_1206 : memref<32000xf32, #tpu.memory_space<hbm>>) target_semaphore(%arg12 : memref<!tpu.dma_semaphore, #tpu.memory_space<semaphore_mem>>)
    %dma_wait3A_1207 = tpu.memref_slice %arg3[%mul3A_952] : memref<16384000xf32, #tpu.memory_space<hbm>> -> memref<32000xf32, #tpu.memory_space<hbm>>
    %dma_wait3A_1208 = tpu.memref_slice %arg3[%mul3A_952] : memref<16384000xf32, #tpu.memory_space<hbm>> -> memref<32000xf32, #tpu.memory_space<hbm>>
    tpu.wait_dma2 semaphore(%arg9 : memref<!tpu.dma_semaphore, #tpu.memory_space<semaphore_mem>>) src(%arg4 : memref<32000xf32, #tpu.memory_space<vmem>>) dst(%dma_wait3A_1208 : memref<32000xf32, #tpu.memory_space<hbm>>)
    %dma_wait3A_1209 = tpu.memref_slice %arg3[%mul3A_1036] : memref<16384000xf32, #tpu.memory_space<hbm>> -> memref<32000xf32, #tpu.memory_space<hbm>>
    %dma_wait3A_1210 = tpu.memref_slice %arg3[%mul3A_1036] : memref<16384000xf32, #tpu.memory_space<hbm>> -> memref<32000xf32, #tpu.memory_space<hbm>>
    tpu.wait_dma2 semaphore(%arg10 : memref<!tpu.dma_semaphore, #tpu.memory_space<semaphore_mem>>) src(%arg5 : memref<32000xf32, #tpu.memory_space<vmem>>) dst(%dma_wait3A_1210 : memref<32000xf32, #tpu.memory_space<hbm>>)
    %dma_wait3A_1211 = tpu.memref_slice %arg3[%mul3A_1120] : memref<16384000xf32, #tpu.memory_space<hbm>> -> memref<32000xf32, #tpu.memory_space<hbm>>
    %dma_wait3A_1212 = tpu.memref_slice %arg3[%mul3A_1120] : memref<16384000xf32, #tpu.memory_space<hbm>> -> memref<32000xf32, #tpu.memory_space<hbm>>
    tpu.wait_dma2 semaphore(%arg11 : memref<!tpu.dma_semaphore, #tpu.memory_space<semaphore_mem>>) src(%arg6 : memref<32000xf32, #tpu.memory_space<vmem>>) dst(%dma_wait3A_1212 : memref<32000xf32, #tpu.memory_space<hbm>>)
    %dma_wait3A_1213 = tpu.memref_slice %arg3[%mul3A_1204] : memref<16384000xf32, #tpu.memory_space<hbm>> -> memref<32000xf32, #tpu.memory_space<hbm>>
    %dma_wait3A_1214 = tpu.memref_slice %arg3[%mul3A_1204] : memref<16384000xf32, #tpu.memory_space<hbm>> -> memref<32000xf32, #tpu.memory_space<hbm>>
    tpu.wait_dma2 semaphore(%arg12 : memref<!tpu.dma_semaphore, #tpu.memory_space<semaphore_mem>>) src(%arg7 : memref<32000xf32, #tpu.memory_space<vmem>>) dst(%dma_wait3A_1214 : memref<32000xf32, #tpu.memory_space<hbm>>)
    return
  }
}

</mosaic_0001>

<sc_bundles>
// kernel: kernel.3.cloned.1.call-start
scs
__scs_entry_jumppad:
0x0: {  	(pc) =	sbr.rel $0x88, $3  }
0x1: {  	(tag) =	ssettag $0x0;
	lr =	simm.s32 $0x1  }
0x2: {  	[smem:$0x3FA0] =	sst lr;
	_ =	strace $0xD0000000  }
0x3: {  	_ = 	snop  }
0x4: {  	_ = 	snop  }
0x5: {  	_ = 	snop  }
0x6: {  	_ = 	snop  }
0x7: {  	_ = 	snop  }
__scs_overlays_trampoline_lowered:
0x8: {  	[smem:$0x3FAF] =	sst s0  }
0x9: {  	[smem:$0x3FB0] =	sst s1  }
0xa: {  	[smem:$0x3FB1] =	sst s2  }
0xb: {  	[smem:$0x3FB2] =	sst s3  }
0xc: {  	[smem:$0x3FB3] =	sst s4  }
0xd: {  	[smem:$0x3FB4] =	sst s5  }
0xe: {  	[smem:$0x3FB5] =	sst s6  }
0xf: {  	[smem:$0x3FB6] =	sst s7  }
0x10: {  	[smem:$0x3FB7] =	sst s8  }
0x11: {  	[smem:$0x3FB8] =	sst s9;
	s0 =	simm.s32 @!p0 $0x0  }
0x12: {  	s1 =	sld [smem:$0x3F9E];
	s0 =	simm.s32 @p0 $0x1  }
0x13: {  	[smem:$0x3FB9] =	sst s0;
	s0 =	simm.s32 @!p1 $0x0  }
0x14: {  	s2 =	sld [smem:$0x3F9D];
	s0 =	simm.s32 @p1 $0x1  }
0x15: {  	[smem:$0x3FBA] =	sst s0;
	s0 =	simm.s32 @!p2 $0x0  }
0x16: {  	s3 =	sld [smem:$0x3FDB];
	s0 =	simm.s32 @p2 $0x1  }
0x17: {  	s4 =	simm.s32 $0x1BF5;
	[smem:$0x3FBC] =	sst s0  }
0x18: {  	s0 =	sld [smem:$0x3F9F];
	_ =	swait.ge [sflag:s4], $0x0  }
0x19: {  	s7 =	sld [smem:$0x3FA0]  }
0x1a: {  	s8 =	sadd.s32 $0xFFFFE003, lr  }
0x1b: {  	s9 =	sadd.s32 $0xFFFFFEF7, lr;
	s5 =	simm.s32 $0xFFFFFFFF;
	p2 =	slt.u32 s8, $0xFFFFF086  }
0x1c: {  	p1 =	slt.u32 s9, $0xF7A;
	s5 =	simm.s32 @!p2 $0x0  }
0x1d: {  	s5 =	simm.s32 @p1 $0x1;
	p0 =	seq.s32 s7, s2  }
0x1e: {  	s7 =	smul.u32 @!p0 $0xF7A, s2;
	p2 =	seq.s32 @!p0 s5, $0x0  }
0x1f: {  	s9 =	smul.u32 $0xF7A, s1;
	s8 =	simm.s32 @!p0 $0x1BF5;
	p2 =	por !p2, p0  }
0x20: {  	[sflag:s8] =	ssyncset.s32 @!p0 $0xFFFFF086;
	s6 =	sadd.s32 @!p0 s3, s7;
	s7 =	simm.s32 @!p0 $0x108  }
0x21: {  	s3 =	sadd.s32 s3, s9;
	s6 =	sadd.s32 @!p0 $0x88, s6;
	s7 =	simm.s32 @p2 $0x1082  }
0x22: {  	[simem:s7], [sflag:s8] =	dma.local @!p0 [hbm:s6], $0xF7A  }
0x23: {  	s9 =	sor.u32 $0xD0000000, s2;
	s6 =	simm.s32 $0x108;
	_ =	swait.ge @!p0 [sflag:s8], $0x0  }
0x24: {  	s3 =	sadd.s32 $0x88, s3;
	s6 =	simm.s32 @!p1 $0x1082;
	[sflag:s4] =	ssyncset.s32 $0xFFFFF086  }
0x25: {  	[simem:s6], [sflag:s4] =	dma.local [hbm:s3], $0xF7A  }
0x26: {  	[smem:$0x3FA0] =	sst s1;
	(tag) =	ssettag s2;
	_ =	strace s9  }
0x27: {  	s1 =	sld [smem:$0x3FB0]  }
0x28: {  	s2 =	sld [smem:$0x3FB1]  }
0x29: {  	s4 =	sld [smem:$0x3FB3]  }
0x2a: {  	p0 =	seq.s32 s5, $0x0;
	s5 =	sld [smem:$0x3FB4]  }
0x2b: {  	s6 =	sld [smem:$0x3FB5]  }
0x2c: {  	s7 =	sld [smem:$0x3FB6]  }
0x2d: {  	s3 =	simm.s32 $0x108;
	s8 =	sld [smem:$0x3FB7]  }
0x2e: {  	s3 =	simm.s32 @!p0 $0x1082;
	s9 =	sld [smem:$0x3FB8]  }
0x2f: {  	lr =	sadd.s32 s0, s3;
	s0 =	sld [smem:$0x3FAF]  }
0x30: {  	s3 =	sld [smem:$0x3FB2]  }
0x31: {  	[smem:$0x3FBB] =	sst s10  }
0x32: {  	s10 =	sld [smem:$0x3FB9];
	_ =	sdelay $0x3  }
0x33: {  	p0 =	seq.s32 s10, $0x1;
	s10 =	sld [smem:$0x3FBB];
	_ =	sdelay $0x3  }
0x34: {  	[smem:$0x3FBB] =	sst s10  }
0x35: {  	s10 =	sld [smem:$0x3FBA];
	_ =	sdelay $0x3  }
0x36: {  	p1 =	seq.s32 s10, $0x1;
	s10 =	sld [smem:$0x3FBB];
	_ =	sdelay $0x3  }
0x37: {  	[smem:$0x3FBB] =	sst s10  }
0x38: {  	s10 =	sld [smem:$0x3FBC]  }
0x39: {  	_ = 	snop;
	(pc) =	sbr.ind lr, $3  }
0x3a: {  	_ = 	snop  }
0x3b: {  	_ = 	snop  }
0x3c: {  	p2 =	seq.s32 s10, $0x1;
	s10 =	sld [smem:$0x3FBB]  }
0x3d: {  	_ =	shalt  }
0x3e: {  	_ =	shalt  }
0x3f: {  	_ =	shalt  }
0x40: {  	_ =	shalt  }
0x41: {  	_ =	shalt  }
0x42: {  	_ =	shalt  }
0x43: {  	_ =	shalt  }
0x44: {  	_ =	shalt  }
0x45: {  	_ =	shalt  }
0x46: {  	_ =	shalt  }
0x47: {  	_ =	shalt  }
0x48: {  	_ =	shalt  }
0x49: {  	_ =	shalt  }
0x4a: {  	_ =	shalt  }
0x4b: {  	_ =	shalt  }
0x4c: {  	_ =	shalt  }
0x4d: {  	_ =	shalt  }
0x4e: {  	_ =	shalt  }
0x4f: {  	_ =	shalt  }
0x50: {  	_ =	shalt  }
0x51: {  	_ =	shalt  }
0x52: {  	_ =	shalt  }
0x53: {  	_ =	shalt  }
0x54: {  	_ =	shalt  }
0x55: {  	_ =	shalt  }
0x56: {  	_ =	shalt  }
0x57: {  	_ =	shalt  }
0x58: {  	_ =	shalt  }
0x59: {  	_ =	shalt  }
0x5a: {  	_ =	shalt  }
0x5b: {  	_ =	shalt  }
0x5c: {  	_ =	shalt  }
0x5d: {  	_ =	shalt  }
0x5e: {  	_ =	shalt  }
0x5f: {  	_ =	shalt  }
0x60: {  	_ =	shalt  }
0x61: {  	_ =	shalt  }
0x62: {  	_ =	shalt  }
0x63: {  	_ =	shalt  }
0x64: {  	_ =	shalt  }
0x65: {  	_ =	shalt  }
0x66: {  	_ =	shalt  }
0x67: {  	_ =	shalt  }
0x68: {  	_ =	shalt  }
0x69: {  	_ =	shalt  }
0x6a: {  	_ =	shalt  }
0x6b: {  	_ =	shalt  }
0x6c: {  	_ =	shalt  }
0x6d: {  	_ =	shalt  }
0x6e: {  	_ =	shalt  }
0x6f: {  	_ =	shalt  }
0x70: {  	_ =	shalt  }
0x71: {  	_ =	shalt  }
0x72: {  	_ =	shalt  }
0x73: {  	_ =	shalt  }
0x74: {  	_ =	shalt  }
0x75: {  	_ =	shalt  }
0x76: {  	_ =	shalt  }
0x77: {  	_ =	shalt  }
0x78: {  	_ =	shalt  }
0x79: {  	_ =	shalt  }
0x7a: {  	_ =	shalt  }
0x7b: {  	_ =	shalt  }
0x7c: {  	_ =	shalt  }
0x7d: {  	_ =	shalt  }
0x7e: {  	_ =	shalt  }
0x7f: {  	_ =	shalt  }
0x80: {  	_ =	shalt  }
0x81: {  	_ =	shalt  }
0x82: {  	_ =	shalt  }
0x83: {  	_ =	shalt  }
0x84: {  	_ =	shalt  }
0x85: {  	_ =	shalt  }
0x86: {  	_ =	shalt  }
0x87: {  	_ =	shalt  }
.Lfunc_end0:
.L_simem_size_0:
called_computation.1_lowered:
.L_overlay_start_0:
0x88: {  	s2 =	sld [smem:$0x3FD9]  }
0x89: {  	s3 =	sld [smem:$0x3FFE];
	_ =	sdelay $0x1  }
0x8a: {  	s1 =	srdreg.scid  }
0x8b: {  	s0 =	sand.u32 $0x1, s1  }
0x8c: {  	s18 =	sshll.u32 s0, $0xA;
	s2 =	sadd.s32 s3, s2  }
0x8d: {  	s2 =	sadd.s32 s2, s18  }
0x8e: {  	[smem:$0x3FC7] =	sst s2  }
0x8f: {  	_ = 	snop  }
0x90: {  	s2 =	sld [smem:$0x3FC9]  }
0x91: {  	s19 =	sld [smem:$0x3FD0];
	(tm) =	ssettm $0x1  }
0x92: {  	s4 =	sld [smem:$0x3FFB];
	_ =	sdelay $0x3  }
0x93: {  	_ =	strace s4  }
0x94: {  	s4 =	sld [smem:$0x3FFC];
	_ =	sdelay $0x3  }
0x95: {  	_ =	strace s4  }
0x96: {  	s4 =	sld [smem:$0x3FFD];
	_ =	sdelay $0x3  }
0x97: {  	_ =	strace s4  }
0x98: {  	_ =	strace $0x8FFFFFFF  }
0x99: {  	s20 =	sld [smem:$0x3FDB];
	_ =	sdelay $0x1  }
0x9a: {  	s5 =	simm.s32 $_scs_section_size  }
0x9b: {  	s6 =	simm.s32 $_size__tile_overlayer_lowered;
	s7 =	simm.s32 $_tile_overlayer_lowered  }
0x9c: {  	s23 =	simm.s32 $0x1BFF;
	s22 =	sshll.u32 s7, $0x1;
	s4 =	sadd.s32 s5, s20  }
0x9d: {  	s8 =	simm.s32 $0x0;
	s21 =	sshll.u32 s6, $0x1;
	s6 =	sadd.s32 s22, s4  }
0x9e: {  	[timem:s8], [sflag:s23] =	dma.local [hbm:s6], s21  }
0x9f: {  	_ =	swait.ge [sflag:s23], s21  }
0xa0: {  	s5 =	ssub.s32 $0x0, s21;
	[sflag:s23] =	ssyncset.done $0x0  }
0xa1: {  	[sflag:s23] =	ssyncadd.s32 s5;
	_ =	sdelay $0x1  }
0xa2: {  	s24 =	simm.s32 $0x1B8B  }
0xa3: {  	_ =	swait.ge [sflag:s24], $0x1  }
0xa4: {  	[sflag:s24] =	ssyncset.done $0x0  }
0xa5: {  	s25 =	simm.s32 $0x1B8E;
	[sflag:s24] =	ssyncadd.s32 $0xFFFFFFFF  }
0xa6: {  	s26 =	simm.s32 $execute0_lowered;
	[smem:$0x3FD2] =	sst s25  }
0xa7: {  	s5 =	sshll.u32 s26, $0x1;
	_ =	strace $0x80000046;
	[dreg:$0x1] =	wrdreg $0xFFFFFFFF  }
0xa8: {  	s28 =	simm.s32 $_size_execute0_lowered;
	s4 =	sadd.s32 s4, s5;
	[dreg:$0x0] =	wrdreg $0x0  }
0xa9: {  	s5 =	sshll.u32 s28, $0x1;
	[dreg:$0x2] =	wrdreg s4  }
0xaa: {  	[dreg:$0x3] =	wrdreg s5  }
0xab: {  	[dreg:$0x4] =	wrdreg $0xC0  }
0xac: {  	_ =	task [dreg:s8], $0x5FFFF  }
0xad: {  	[dreg:$0x1] =	wrdreg $0xFFFFFFFF  }
0xae: {  	[dreg:$0x0] =	wrdreg $0x60  }
0xaf: {  	[dreg:$0x2] =	wrdreg s2  }
0xb0: {  	[dreg:$0x3] =	wrdreg s19  }
0xb1: {  	[dreg:$0x4] =	wrdreg $0x9  }
0xb2: {  	_ =	task.clear_ibuf [dreg:s8], $0x5FFFF;
	_ =	strace $0x90000046  }
0xb3: {  	s29 =	simm.s32 $0x9;
	_ =	strace $0x80000048  }
0xb4: {  	_ =	swait.ge [sflag:s29], $0x1  }
0xb5: {  	[sflag:s29] =	ssyncadd.s32 $0xFFFFFFFF  }
0xb6: {  	_ =	strace $0x90000048  }
0xb7: {  	_ =	sfence  }
0xb8: {  	s30 =	sld [smem:$0x0];
	_ =	sdelay $0x2  }
0xb9: {  	s31 =	sshll.u32 s1, $0xD;
	s1 =	sshrl.u32 s1, $0x2  }
0xba: {  	s3 =	sand.u32 $0x4000, s31;
	s1 =	sadd.s32 s1, s30  }
0xbb: {  	s0 =	sor.u32 s3, s0;
	s1 =	sshll.u32 s1, $0x11  }
0xbc: {  	s0 =	sor.u32 s1, s0  }
0xbd: {  	s0 =	sadd.s32 $0x8F2B, s0  }
0xbe: {  	[sflag:s0] =	ssyncadd.remote.s32 $0x1  }
0xbf: {  	_ =	sfence.sel $0xFFFF  }
0xc0: {  	[dreg:$0x0] =	wrdreg $0xFFFFFFFF;
	(pc) =	sbr.abs _section_cstart, $3  }
0xc1: {  	[dreg:$0x1] =	wrdreg $0xFFFFFFFF  }
0xc2: {  	_ =	task.clear_ibuf [dreg:s8], $0x2FFFF;
	_ =	strace $0x9FFFFFFF  }
0xc3: {  	(tm) =	ssettm $0x7FFFFFFF  }
tec
execute0_lowered:
.L_overlay_start_1:
0x0: {  	(tag) =	ssettag $0x1  }
0x1: {  	s0 =	srdreg.scid;
	s1 =	rddreg [dreg:$0x0]  }
0x2: {  	s4 =	rddreg [dreg:$0x1];
	s5 =	stileid.u32  }
0x3: {  	s2 =	simm.s32 $0x0;
	s21 =	simm.s32 $0x1F400;
	s22 =	simm.s32 $0x5  }
0x4: {  	s23 =	simm.s32 $0x7D00;
	s24 =	simm.s32 $0xFA00;
	s0 =	sand.u32 $0x1, s0  }
0x5: {  	s25 =	simm.s32 $0x17700;
	s28 =	simm.s32 $0x2;
	s3 =	sshll.u32 s0, $0x4  }
0x6: {  	s29 =	simm.s32 $0x3;
	s30 =	simm.s32 $0x4;
	s3 =	sor.u32 s5, s3  }
0x7: {  	[smem:$0x7FF] =	sst s2;
	s0 =	ssub.s32 $0x2, s0;
	s5 =	smul.u32 $0x7D000, s3  }
0x8: {  	s31 =	simm.s32 $0x0;
	_ =	strace $0x80000047;
	s6 =	sshrl.u32 s0, $0x1  }
0x9: {  	s7 =	sshll.u32 s3, $0x6;
	s8 =	smul.u32 $0xFA00, s3;
	s5 =	sshrl.u32 s5, $0x3  }
0xa: {  	s0 =	ssub.s32 s0, s6;
	s3 =	sadd.s32 s1, s7;
	s26 =	sadd.s32 s4, s5  }
0xb: {  	s20 =	smax.u32 s0, $0x1;
	s4 =	sadd.s32 s4, s8;
	s5 =	sadd.s32 $0xFA0, s26  }
0xc: {  	s6 =	sadd.s32 $0x1F40, s26;
	s7 =	sadd.s32 $0x2EE0, s26;
	s8 =	sadd.s32 $0x3E80, s26  }
0xd: {  	v0 =	vlaneseq.u32;
	s9 =	sadd.s32 $0x4E20, s26;
	s10 =	sadd.s32 $0x5DC0, s26;
	s11 =	sadd.s32 $0x6D60, s26  }
0xe: {  	v0 =	vmul.u32 $0x3E8, v0;
	s12 =	sadd.s32 $0x7D00, s26;
	s13 =	sadd.s32 $0x8CA0, s26;
	s14 =	sadd.s32 $0x9C40, s26  }
0xf: {  	s15 =	sadd.s32 $0xABE0, s26;
	s16 =	sadd.s32 $0xBB80, s26;
	s17 =	sadd.s32 $0xCB20, s26  }
0x10: {  	v1 =	vimm.f32 $0.0e+00;
	v2 =	vimm.f32 $1.000000000e+00;
	v3 =	vadd.s32 $0x3E80, v0;
	s18 =	sadd.s32 $0xDAC0, s26;
	s19 =	sadd.s32 $0xEA60, s26;
	s26 =	simm.s32 $0x1  }
.LBB2_1:
0x11: {  	[tilespmem:s21], [sflag:$0x5] =	stream.linear.gather [hbm4b:s3+s2], $0x200, $0x38;
	[tilespmem:$0x1F600] =	vst v63  }
0x12: {  	_ =	swait.ge [sflag:s22], $0x200  }
0x13: {  	[sflag:s22] =	ssyncset.done $0x0  }
0x14: {  	s0 =	simm.s32 $0x0;
	s1 =	simm.s32 $0x200;
	[sflag:s22] =	ssyncadd.s32 $0xFFFFFE00  }
.LBB2_2:
0x15: {  	p0 =	sne.s32 s1, $0x1F200;
	[tilespmem:s0+$0x70] =	vst v1  }
0x16: {  	[tilespmem:s0+$0x0] =	vst v1  }
0x17: {  	[tilespmem:s0+$0x10] =	vst v1  }
.Ltmp0:
0x18: {  	[tilespmem:s0+$0x20] =	vst v1;
	(pc) =	sbr.rel @p0 .LBB2_2-.Ltmp0, $4  }
0x19: {  	[tilespmem:s0+$0x30] =	vst v1  }
0x1a: {  	[tilespmem:s0+$0x40] =	vst v1  }
0x1b: {  	[tilespmem:s0+$0x50] =	vst v1  }
0x1c: {  	[tilespmem:s0+$0x60] =	vst v1;
	s0 =	sshra.s32 s1, $0x2;
	s1 =	sadd.s32 $0x200, s1  }
0x1d: {  	[tilespmem:s0+$0x70] =	vst v1  }
0x1e: {  	[tilespmem:s0+$0x0] =	vst v1  }
0x1f: {  	[tilespmem:s0+$0x10] =	vst v1  }
0x20: {  	[tilespmem:s0+$0x20] =	vst v1  }
0x21: {  	[tilespmem:s0+$0x30] =	vst v1  }
0x22: {  	[tilespmem:s0+$0x40] =	vst v1  }
0x23: {  	[tilespmem:s0+$0x50] =	vst v1  }
0x24: {  	[tilespmem:s0+$0x60] =	vst v1;
	s0 =	simm.s32 $0x0;
	s1 =	simm.s32 $0x200  }
.LBB2_4:
0x25: {  	p0 =	sne.s32 s1, $0x1F200;
	[tilespmem:s0+$0x7D70] =	vst v1  }
0x26: {  	[tilespmem:s0+$0x7D00] =	vst v1  }
0x27: {  	[tilespmem:s0+$0x7D10] =	vst v1  }
.Ltmp1:
0x28: {  	[tilespmem:s0+$0x7D20] =	vst v1;
	(pc) =	sbr.rel @p0 .LBB2_4-.Ltmp1, $4  }
0x29: {  	[tilespmem:s0+$0x7D30] =	vst v1  }
0x2a: {  	[tilespmem:s0+$0x7D40] =	vst v1  }
0x2b: {  	[tilespmem:s0+$0x7D50] =	vst v1  }
0x2c: {  	[tilespmem:s0+$0x7D60] =	vst v1;
	s0 =	sshra.s32 s1, $0x2;
	s1 =	sadd.s32 $0x200, s1  }
0x2d: {  	[tilespmem:s0+$0x7D70] =	vst v1  }
0x2e: {  	[tilespmem:s0+$0x7D00] =	vst v1  }
0x2f: {  	[tilespmem:s0+$0x7D10] =	vst v1  }
0x30: {  	[tilespmem:s0+$0x7D20] =	vst v1  }
0x31: {  	[tilespmem:s0+$0x7D30] =	vst v1  }
0x32: {  	[tilespmem:s0+$0x7D40] =	vst v1  }
0x33: {  	[tilespmem:s0+$0x7D50] =	vst v1  }
0x34: {  	[tilespmem:s0+$0x7D60] =	vst v1;
	s0 =	simm.s32 $0x0;
	s1 =	simm.s32 $0x200  }
.LBB2_6:
0x35: {  	p0 =	sne.s32 s1, $0x1F200;
	[tilespmem:s0+$0xFA70] =	vst v1  }
0x36: {  	[tilespmem:s0+$0xFA00] =	vst v1  }
0x37: {  	[tilespmem:s0+$0xFA10] =	vst v1  }
.Ltmp2:
0x38: {  	[tilespmem:s0+$0xFA20] =	vst v1;
	(pc) =	sbr.rel @p0 .LBB2_6-.Ltmp2, $4  }
0x39: {  	[tilespmem:s0+$0xFA30] =	vst v1  }
0x3a: {  	[tilespmem:s0+$0xFA40] =	vst v1  }
0x3b: {  	[tilespmem:s0+$0xFA50] =	vst v1  }
0x3c: {  	[tilespmem:s0+$0xFA60] =	vst v1;
	s0 =	sshra.s32 s1, $0x2;
	s1 =	sadd.s32 $0x200, s1  }
0x3d: {  	[tilespmem:s0+$0xFA70] =	vst v1  }
0x3e: {  	[tilespmem:s0+$0xFA00] =	vst v1  }
0x3f: {  	[tilespmem:s0+$0xFA10] =	vst v1  }
0x40: {  	[tilespmem:s0+$0xFA20] =	vst v1  }
0x41: {  	[tilespmem:s0+$0xFA30] =	vst v1  }
0x42: {  	[tilespmem:s0+$0xFA40] =	vst v1  }
0x43: {  	[tilespmem:s0+$0xFA50] =	vst v1  }
0x44: {  	[tilespmem:s0+$0xFA60] =	vst v1;
	s0 =	simm.s32 $0x0;
	s1 =	simm.s32 $0x200  }
.LBB2_8:
0x45: {  	p0 =	sne.s32 s1, $0x1F200;
	[tilespmem:s0+$0x17770] =	vst v1  }
0x46: {  	[tilespmem:s0+$0x17700] =	vst v1  }
0x47: {  	[tilespmem:s0+$0x17710] =	vst v1  }
.Ltmp3:
0x48: {  	[tilespmem:s0+$0x17720] =	vst v1;
	(pc) =	sbr.rel @p0 .LBB2_8-.Ltmp3, $4  }
0x49: {  	[tilespmem:s0+$0x17730] =	vst v1  }
0x4a: {  	[tilespmem:s0+$0x17740] =	vst v1  }
0x4b: {  	[tilespmem:s0+$0x17750] =	vst v1  }
0x4c: {  	[tilespmem:s0+$0x17760] =	vst v1;
	s0 =	sshra.s32 s1, $0x2;
	s1 =	sadd.s32 $0x200, s1  }
0x4d: {  	[tilespmem:s0+$0x17770] =	vst v1  }
0x4e: {  	[tilespmem:s0+$0x17700] =	vst v1  }
0x4f: {  	[tilespmem:s0+$0x17710] =	vst v1  }
0x50: {  	[tilespmem:s0+$0x17720] =	vst v1  }
0x51: {  	[tilespmem:s0+$0x17730] =	vst v1  }
0x52: {  	[tilespmem:s0+$0x17740] =	vst v1  }
0x53: {  	[tilespmem:s0+$0x17750] =	vst v1  }
0x54: {  	[tilespmem:s0+$0x17760] =	vst v1  }
0x55: {  	v4 =	vld [tilespmem:$0x1F400];
	_ =	sdelay $0x4  }
0x56: {  	v4 =	vmin.u32 v4, $0x3E7  }
0x57: {  	v4 =	vadd.s32 v0, v4;
	_ =	sdelay $0x4  }
0x58: {  	[tilespmem:v4+s2+$0x0] =	vst.idx.msk $0xffff, v2  }
0x59: {  	v4 =	vld [tilespmem:$0x1F410];
	_ =	sdelay $0x4  }
0x5a: {  	v4 =	vmin.u32 v4, $0x3E7  }
0x5b: {  	v4 =	vadd.s32 v3, v4;
	_ =	sdelay $0x4  }
0x5c: {  	[tilespmem:v4+s2+$0x0] =	vst.idx.msk $0xffff, v2  }
0x5d: {  	[hbm4b:s4+s2] =	stream.linear.scatter [tilespmem:s2], [sflag:$0x1], $0x7D00, $0x38;
	[tilespmem:$0x1F600] =	vst v63  }
0x5e: {  	v4 =	vld [tilespmem:$0x1F420];
	_ =	sdelay $0x4  }
0x5f: {  	v4 =	vmin.u32 v4, $0x3E7  }
0x60: {  	v4 =	vadd.s32 v0, v4;
	_ =	sdelay $0x4  }
0x61: {  	[tilespmem:v4+s23+$0x0] =	vst.idx.msk $0xffff, v2  }
0x62: {  	v4 =	vld [tilespmem:$0x1F430];
	_ =	sdelay $0x4  }
0x63: {  	v4 =	vmin.u32 v4, $0x3E7  }
0x64: {  	v4 =	vadd.s32 v3, v4;
	_ =	sdelay $0x4  }
0x65: {  	[tilespmem:v4+s23+$0x0] =	vst.idx.msk $0xffff, v2  }
0x66: {  	[hbm4b:s5+s2] =	stream.linear.scatter [tilespmem:s23], [sflag:$0x2], $0x7D00, $0x38;
	[tilespmem:$0x1F600] =	vst v63  }
0x67: {  	v4 =	vld [tilespmem:$0x1F440];
	_ =	sdelay $0x4  }
0x68: {  	v4 =	vmin.u32 v4, $0x3E7  }
0x69: {  	v4 =	vadd.s32 v0, v4;
	_ =	sdelay $0x4  }
0x6a: {  	[tilespmem:v4+s24+$0x0] =	vst.idx.msk $0xffff, v2  }
0x6b: {  	v4 =	vld [tilespmem:$0x1F450];
	_ =	sdelay $0x4  }
0x6c: {  	v4 =	vmin.u32 v4, $0x3E7  }
0x6d: {  	v4 =	vadd.s32 v3, v4;
	_ =	sdelay $0x4  }
0x6e: {  	[tilespmem:v4+s24+$0x0] =	vst.idx.msk $0xffff, v2  }
0x6f: {  	[hbm4b:s6+s2] =	stream.linear.scatter [tilespmem:s24], [sflag:$0x3], $0x7D00, $0x38;
	[tilespmem:$0x1F600] =	vst v63  }
0x70: {  	v4 =	vld [tilespmem:$0x1F460];
	_ =	sdelay $0x4  }
0x71: {  	v4 =	vmin.u32 v4, $0x3E7  }
0x72: {  	v4 =	vadd.s32 v0, v4;
	_ =	sdelay $0x4  }
0x73: {  	[tilespmem:v4+s25+$0x0] =	vst.idx.msk $0xffff, v2  }
0x74: {  	v4 =	vld [tilespmem:$0x1F470];
	_ =	sdelay $0x4  }
0x75: {  	v4 =	vmin.u32 v4, $0x3E7  }
0x76: {  	v4 =	vadd.s32 v3, v4;
	_ =	sdelay $0x4  }
0x77: {  	[tilespmem:v4+s25+$0x0] =	vst.idx.msk $0xffff, v2  }
0x78: {  	[hbm4b:s7+s2] =	stream.linear.scatter [tilespmem:s25], [sflag:$0x4], $0x7D00, $0x38;
	[tilespmem:$0x1F600] =	vst v63  }
0x79: {  	_ =	swait.ge [sflag:s26], $0x7D00  }
0x7a: {  	[sflag:s26] =	ssyncset.done $0x0  }
0x7b: {  	[sflag:s26] =	ssyncadd.s32 $0xFFFF8300  }
0x7c: {  	v4 =	vld [tilespmem:$0x1F400];
	_ =	sdelay $0x4  }
0x7d: {  	v4 =	vmin.u32 v4, $0x3E7  }
0x7e: {  	v4 =	vadd.s32 v0, v4;
	_ =	sdelay $0x4  }
0x7f: {  	[tilespmem:v4+s2+$0x0] =	vst.idx.msk $0xffff, v1  }
0x80: {  	v4 =	vld [tilespmem:$0x1F410];
	_ =	sdelay $0x4  }
0x81: {  	v4 =	vmin.u32 v4, $0x3E7  }
0x82: {  	v4 =	vadd.s32 v3, v4;
	_ =	sdelay $0x4  }
0x83: {  	[tilespmem:v4+s2+$0x0] =	vst.idx.msk $0xffff, v1  }
0x84: {  	v4 =	vld [tilespmem:$0x1F480];
	_ =	sdelay $0x4  }
0x85: {  	v4 =	vmin.u32 v4, $0x3E7  }
0x86: {  	v4 =	vadd.s32 v0, v4;
	_ =	sdelay $0x4  }
0x87: {  	[tilespmem:v4+s2+$0x0] =	vst.idx.msk $0xffff, v2  }
0x88: {  	v4 =	vld [tilespmem:$0x1F490];
	_ =	sdelay $0x4  }
0x89: {  	v4 =	vmin.u32 v4, $0x3E7  }
0x8a: {  	v4 =	vadd.s32 v3, v4;
	_ =	sdelay $0x4  }
0x8b: {  	[tilespmem:v4+s2+$0x0] =	vst.idx.msk $0xffff, v2  }
0x8c: {  	[hbm4b:s8+s2] =	stream.linear.scatter [tilespmem:s2], [sflag:$0x1], $0x7D00, $0x38;
	[tilespmem:$0x1F600] =	vst v63  }
0x8d: {  	_ =	swait.ge [sflag:s28], $0x7D00  }
0x8e: {  	[sflag:s28] =	ssyncset.done $0x0  }
0x8f: {  	[sflag:s28] =	ssyncadd.s32 $0xFFFF8300  }
0x90: {  	v4 =	vld [tilespmem:$0x1F420];
	_ =	sdelay $0x4  }
0x91: {  	v4 =	vmin.u32 v4, $0x3E7  }
0x92: {  	v4 =	vadd.s32 v0, v4;
	_ =	sdelay $0x4  }
0x93: {  	[tilespmem:v4+s23+$0x0] =	vst.idx.msk $0xffff, v1  }
0x94: {  	v4 =	vld [tilespmem:$0x1F430];
	_ =	sdelay $0x4  }
0x95: {  	v4 =	vmin.u32 v4, $0x3E7  }
0x96: {  	v4 =	vadd.s32 v3, v4;
	_ =	sdelay $0x4  }
0x97: {  	[tilespmem:v4+s23+$0x0] =	vst.idx.msk $0xffff, v1  }
0x98: {  	v4 =	vld [tilespmem:$0x1F4A0];
	_ =	sdelay $0x4  }
0x99: {  	v4 =	vmin.u32 v4, $0x3E7  }
0x9a: {  	v4 =	vadd.s32 v0, v4;
	_ =	sdelay $0x4  }
0x9b: {  	[tilespmem:v4+s23+$0x0] =	vst.idx.msk $0xffff, v2  }
0x9c: {  	v4 =	vld [tilespmem:$0x1F4B0];
	_ =	sdelay $0x4  }
0x9d: {  	v4 =	vmin.u32 v4, $0x3E7  }
0x9e: {  	v4 =	vadd.s32 v3, v4;
	_ =	sdelay $0x4  }
0x9f: {  	[tilespmem:v4+s23+$0x0] =	vst.idx.msk $0xffff, v2  }
0xa0: {  	[hbm4b:s9+s2] =	stream.linear.scatter [tilespmem:s23], [sflag:$0x2], $0x7D00, $0x38;
	[tilespmem:$0x1F600] =	vst v63  }
0xa1: {  	_ =	swait.ge [sflag:s29], $0x7D00  }
0xa2: {  	[sflag:s29] =	ssyncset.done $0x0  }
0xa3: {  	[sflag:s29] =	ssyncadd.s32 $0xFFFF8300  }
0xa4: {  	v4 =	vld [tilespmem:$0x1F440];
	_ =	sdelay $0x4  }
0xa5: {  	v4 =	vmin.u32 v4, $0x3E7  }
0xa6: {  	v4 =	vadd.s32 v0, v4;
	_ =	sdelay $0x4  }
0xa7: {  	[tilespmem:v4+s24+$0x0] =	vst.idx.msk $0xffff, v1  }
0xa8: {  	v4 =	vld [tilespmem:$0x1F450];
	_ =	sdelay $0x4  }
0xa9: {  	v4 =	vmin.u32 v4, $0x3E7  }
0xaa: {  	v4 =	vadd.s32 v3, v4;
	_ =	sdelay $0x4  }
0xab: {  	[tilespmem:v4+s24+$0x0] =	vst.idx.msk $0xffff, v1  }
0xac: {  	v4 =	vld [tilespmem:$0x1F4C0];
	_ =	sdelay $0x4  }
0xad: {  	v4 =	vmin.u32 v4, $0x3E7  }
0xae: {  	v4 =	vadd.s32 v0, v4;
	_ =	sdelay $0x4  }
0xaf: {  	[tilespmem:v4+s24+$0x0] =	vst.idx.msk $0xffff, v2  }
0xb0: {  	v4 =	vld [tilespmem:$0x1F4D0];
	_ =	sdelay $0x4  }
0xb1: {  	v4 =	vmin.u32 v4, $0x3E7  }
0xb2: {  	v4 =	vadd.s32 v3, v4;
	_ =	sdelay $0x4  }
0xb3: {  	[tilespmem:v4+s24+$0x0] =	vst.idx.msk $0xffff, v2  }
0xb4: {  	[hbm4b:s10+s2] =	stream.linear.scatter [tilespmem:s24], [sflag:$0x3], $0x7D00, $0x38;
	[tilespmem:$0x1F600] =	vst v63  }
0xb5: {  	_ =	swait.ge [sflag:s30], $0x7D00  }
0xb6: {  	[sflag:s30] =	ssyncset.done $0x0  }
0xb7: {  	[sflag:s30] =	ssyncadd.s32 $0xFFFF8300  }
0xb8: {  	v4 =	vld [tilespmem:$0x1F460];
	_ =	sdelay $0x4  }
0xb9: {  	v4 =	vmin.u32 v4, $0x3E7  }
0xba: {  	v4 =	vadd.s32 v0, v4;
	_ =	sdelay $0x4  }
0xbb: {  	[tilespmem:v4+s25+$0x0] =	vst.idx.msk $0xffff, v1  }
0xbc: {  	v4 =	vld [tilespmem:$0x1F470];
	_ =	sdelay $0x4  }
0xbd: {  	v4 =	vmin.u32 v4, $0x3E7  }
0xbe: {  	v4 =	vadd.s32 v3, v4;
	_ =	sdelay $0x4  }
0xbf: {  	[tilespmem:v4+s25+$0x0] =	vst.idx.msk $0xffff, v1  }
0xc0: {  	v4 =	vld [tilespmem:$0x1F4E0];
	_ =	sdelay $0x4  }
0xc1: {  	v4 =	vmin.u32 v4, $0x3E7  }
0xc2: {  	v4 =	vadd.s32 v0, v4;
	_ =	sdelay $0x4  }
0xc3: {  	[tilespmem:v4+s25+$0x0] =	vst.idx.msk $0xffff, v2  }
0xc4: {  	v4 =	vld [tilespmem:$0x1F4F0];
	_ =	sdelay $0x4  }
0xc5: {  	v4 =	vmin.u32 v4, $0x3E7  }
0xc6: {  	v4 =	vadd.s32 v3, v4;
	_ =	sdelay $0x4  }
0xc7: {  	[tilespmem:v4+s25+$0x0] =	vst.idx.msk $0xffff, v2  }
0xc8: {  	[hbm4b:s11+s2] =	stream.linear.scatter [tilespmem:s25], [sflag:$0x4], $0x7D00, $0x38;
	[tilespmem:$0x1F600] =	vst v63  }
0xc9: {  	_ =	swait.ge [sflag:s26], $0x7D00  }
0xca: {  	[sflag:s26] =	ssyncset.done $0x0  }
0xcb: {  	[sflag:s26] =	ssyncadd.s32 $0xFFFF8300  }
0xcc: {  	v4 =	vld [tilespmem:$0x1F480];
	_ =	sdelay $0x4  }
0xcd: {  	v4 =	vmin.u32 v4, $0x3E7  }
0xce: {  	v4 =	vadd.s32 v0, v4;
	_ =	sdelay $0x4  }
0xcf: {  	[tilespmem:v4+s2+$0x0] =	vst.idx.msk $0xffff, v1  }
0xd0: {  	v4 =	vld [tilespmem:$0x1F490];
	_ =	sdelay $0x4  }
0xd1: {  	v4 =	vmin.u32 v4, $0x3E7  }
0xd2: {  	v4 =	vadd.s32 v3, v4;
	_ =	sdelay $0x4  }
0xd3: {  	[tilespmem:v4+s2+$0x0] =	vst.idx.msk $0xffff, v1  }
0xd4: {  	v4 =	vld [tilespmem:$0x1F500];
	_ =	sdelay $0x4  }
0xd5: {  	v4 =	vmin.u32 v4, $0x3E7  }
0xd6: {  	v4 =	vadd.s32 v0, v4;
	_ =	sdelay $0x4  }
0xd7: {  	[tilespmem:v4+s2+$0x0] =	vst.idx.msk $0xffff, v2  }
0xd8: {  	v4 =	vld [tilespmem:$0x1F510];
	_ =	sdelay $0x4  }
0xd9: {  	v4 =	vmin.u32 v4, $0x3E7  }
0xda: {  	v4 =	vadd.s32 v3, v4;
	_ =	sdelay $0x4  }
0xdb: {  	[tilespmem:v4+s2+$0x0] =	vst.idx.msk $0xffff, v2  }
0xdc: {  	[hbm4b:s12+s2] =	stream.linear.scatter [tilespmem:s2], [sflag:$0x1], $0x7D00, $0x38;
	[tilespmem:$0x1F600] =	vst v63  }
0xdd: {  	_ =	swait.ge [sflag:s28], $0x7D00  }
0xde: {  	[sflag:s28] =	ssyncset.done $0x0  }
0xdf: {  	[sflag:s28] =	ssyncadd.s32 $0xFFFF8300  }
0xe0: {  	v4 =	vld [tilespmem:$0x1F4A0];
	_ =	sdelay $0x4  }
0xe1: {  	v4 =	vmin.u32 v4, $0x3E7  }
0xe2: {  	v4 =	vadd.s32 v0, v4;
	_ =	sdelay $0x4  }
0xe3: {  	[tilespmem:v4+s23+$0x0] =	vst.idx.msk $0xffff, v1  }
0xe4: {  	v4 =	vld [tilespmem:$0x1F4B0];
	_ =	sdelay $0x4  }
0xe5: {  	v4 =	vmin.u32 v4, $0x3E7  }
0xe6: {  	v4 =	vadd.s32 v3, v4;
	_ =	sdelay $0x4  }
0xe7: {  	[tilespmem:v4+s23+$0x0] =	vst.idx.msk $0xffff, v1  }
0xe8: {  	v4 =	vld [tilespmem:$0x1F520];
	_ =	sdelay $0x4  }
0xe9: {  	v4 =	vmin.u32 v4, $0x3E7  }
0xea: {  	v4 =	vadd.s32 v0, v4;
	_ =	sdelay $0x4  }
0xeb: {  	[tilespmem:v4+s23+$0x0] =	vst.idx.msk $0xffff, v2  }
0xec: {  	v4 =	vld [tilespmem:$0x1F530];
	_ =	sdelay $0x4  }
0xed: {  	v4 =	vmin.u32 v4, $0x3E7  }
0xee: {  	v4 =	vadd.s32 v3, v4;
	_ =	sdelay $0x4  }
0xef: {  	[tilespmem:v4+s23+$0x0] =	vst.idx.msk $0xffff, v2  }
0xf0: {  	[hbm4b:s13+s2] =	stream.linear.scatter [tilespmem:s23], [sflag:$0x2], $0x7D00, $0x38;
	[tilespmem:$0x1F600] =	vst v63  }
0xf1: {  	_ =	swait.ge [sflag:s29], $0x7D00  }
0xf2: {  	[sflag:s29] =	ssyncset.done $0x0  }
0xf3: {  	[sflag:s29] =	ssyncadd.s32 $0xFFFF8300  }
0xf4: {  	v4 =	vld [tilespmem:$0x1F4C0];
	_ =	sdelay $0x4  }
0xf5: {  	v4 =	vmin.u32 v4, $0x3E7  }
0xf6: {  	v4 =	vadd.s32 v0, v4;
	_ =	sdelay $0x4  }
0xf7: {  	[tilespmem:v4+s24+$0x0] =	vst.idx.msk $0xffff, v1  }
0xf8: {  	v4 =	vld [tilespmem:$0x1F4D0];
	_ =	sdelay $0x4  }
0xf9: {  	v4 =	vmin.u32 v4, $0x3E7  }
0xfa: {  	v4 =	vadd.s32 v3, v4;
	_ =	sdelay $0x4  }
0xfb: {  	[tilespmem:v4+s24+$0x0] =	vst.idx.msk $0xffff, v1  }
0xfc: {  	v4 =	vld [tilespmem:$0x1F540];
	_ =	sdelay $0x4  }
0xfd: {  	v4 =	vmin.u32 v4, $0x3E7  }
0xfe: {  	v4 =	vadd.s32 v0, v4;
	_ =	sdelay $0x4  }
0xff: {  	[tilespmem:v4+s24+$0x0] =	vst.idx.msk $0xffff, v2  }
0x100: {  	v4 =	vld [tilespmem:$0x1F550];
	_ =	sdelay $0x4  }
0x101: {  	v4 =	vmin.u32 v4, $0x3E7  }
0x102: {  	v4 =	vadd.s32 v3, v4;
	_ =	sdelay $0x4  }
0x103: {  	[tilespmem:v4+s24+$0x0] =	vst.idx.msk $0xffff, v2  }
0x104: {  	[hbm4b:s14+s2] =	stream.linear.scatter [tilespmem:s24], [sflag:$0x3], $0x7D00, $0x38;
	[tilespmem:$0x1F600] =	vst v63  }
0x105: {  	_ =	swait.ge [sflag:s30], $0x7D00  }
0x106: {  	[sflag:s30] =	ssyncset.done $0x0  }
0x107: {  	[sflag:s30] =	ssyncadd.s32 $0xFFFF8300  }
0x108: {  	v4 =	vld [tilespmem:$0x1F4E0];
	_ =	sdelay $0x4  }
0x109: {  	v4 =	vmin.u32 v4, $0x3E7  }
0x10a: {  	v4 =	vadd.s32 v0, v4;
	_ =	sdelay $0x4  }
0x10b: {  	[tilespmem:v4+s25+$0x0] =	vst.idx.msk $0xffff, v1  }
0x10c: {  	v4 =	vld [tilespmem:$0x1F4F0];
	_ =	sdelay $0x4  }
0x10d: {  	v4 =	vmin.u32 v4, $0x3E7  }
0x10e: {  	v4 =	vadd.s32 v3, v4;
	_ =	sdelay $0x4  }
0x10f: {  	[tilespmem:v4+s25+$0x0] =	vst.idx.msk $0xffff, v1  }
0x110: {  	v4 =	vld [tilespmem:$0x1F560];
	_ =	sdelay $0x4  }
0x111: {  	v4 =	vmin.u32 v4, $0x3E7  }
0x112: {  	v4 =	vadd.s32 v0, v4;
	_ =	sdelay $0x4  }
0x113: {  	[tilespmem:v4+s25+$0x0] =	vst.idx.msk $0xffff, v2  }
0x114: {  	v4 =	vld [tilespmem:$0x1F570];
	_ =	sdelay $0x4  }
0x115: {  	v4 =	vmin.u32 v4, $0x3E7  }
0x116: {  	v4 =	vadd.s32 v3, v4;
	_ =	sdelay $0x4  }
0x117: {  	[tilespmem:v4+s25+$0x0] =	vst.idx.msk $0xffff, v2  }
0x118: {  	[hbm4b:s15+s2] =	stream.linear.scatter [tilespmem:s25], [sflag:$0x4], $0x7D00, $0x38;
	[tilespmem:$0x1F600] =	vst v63  }
0x119: {  	_ =	swait.ge [sflag:s26], $0x7D00  }
0x11a: {  	[sflag:s26] =	ssyncset.done $0x0  }
0x11b: {  	[sflag:s26] =	ssyncadd.s32 $0xFFFF8300  }
0x11c: {  	v4 =	vld [tilespmem:$0x1F500];
	_ =	sdelay $0x4  }
0x11d: {  	v4 =	vmin.u32 v4, $0x3E7  }
0x11e: {  	v4 =	vadd.s32 v0, v4;
	_ =	sdelay $0x4  }
0x11f: {  	[tilespmem:v4+s2+$0x0] =	vst.idx.msk $0xffff, v1  }
0x120: {  	v4 =	vld [tilespmem:$0x1F510];
	_ =	sdelay $0x4  }
0x121: {  	v4 =	vmin.u32 v4, $0x3E7  }
0x122: {  	v4 =	vadd.s32 v3, v4;
	_ =	sdelay $0x4  }
0x123: {  	[tilespmem:v4+s2+$0x0] =	vst.idx.msk $0xffff, v1  }
0x124: {  	v4 =	vld [tilespmem:$0x1F580];
	_ =	sdelay $0x4  }
0x125: {  	v4 =	vmin.u32 v4, $0x3E7  }
0x126: {  	v4 =	vadd.s32 v0, v4;
	_ =	sdelay $0x4  }
0x127: {  	[tilespmem:v4+s2+$0x0] =	vst.idx.msk $0xffff, v2  }
0x128: {  	v4 =	vld [tilespmem:$0x1F590];
	_ =	sdelay $0x4  }
0x129: {  	v4 =	vmin.u32 v4, $0x3E7  }
0x12a: {  	v4 =	vadd.s32 v3, v4;
	_ =	sdelay $0x4  }
0x12b: {  	[tilespmem:v4+s2+$0x0] =	vst.idx.msk $0xffff, v2  }
0x12c: {  	[hbm4b:s16+s2] =	stream.linear.scatter [tilespmem:s2], [sflag:$0x1], $0x7D00, $0x38;
	[tilespmem:$0x1F600] =	vst v63  }
0x12d: {  	_ =	swait.ge [sflag:s28], $0x7D00  }
0x12e: {  	[sflag:s28] =	ssyncset.done $0x0  }
0x12f: {  	[sflag:s28] =	ssyncadd.s32 $0xFFFF8300  }
0x130: {  	v4 =	vld [tilespmem:$0x1F520];
	_ =	sdelay $0x4  }
0x131: {  	v4 =	vmin.u32 v4, $0x3E7  }
0x132: {  	v4 =	vadd.s32 v0, v4;
	_ =	sdelay $0x4  }
0x133: {  	[tilespmem:v4+s23+$0x0] =	vst.idx.msk $0xffff, v1  }
0x134: {  	v4 =	vld [tilespmem:$0x1F530];
	_ =	sdelay $0x4  }
0x135: {  	v4 =	vmin.u32 v4, $0x3E7  }
0x136: {  	v4 =	vadd.s32 v3, v4;
	_ =	sdelay $0x4  }
0x137: {  	[tilespmem:v4+s23+$0x0] =	vst.idx.msk $0xffff, v1  }
0x138: {  	v4 =	vld [tilespmem:$0x1F5A0];
	_ =	sdelay $0x4  }
0x139: {  	v4 =	vmin.u32 v4, $0x3E7  }
0x13a: {  	v4 =	vadd.s32 v0, v4;
	_ =	sdelay $0x4  }
0x13b: {  	[tilespmem:v4+s23+$0x0] =	vst.idx.msk $0xffff, v2  }
0x13c: {  	v4 =	vld [tilespmem:$0x1F5B0];
	_ =	sdelay $0x4  }
0x13d: {  	v4 =	vmin.u32 v4, $0x3E7  }
0x13e: {  	v4 =	vadd.s32 v3, v4;
	_ =	sdelay $0x4  }
0x13f: {  	[tilespmem:v4+s23+$0x0] =	vst.idx.msk $0xffff, v2  }
0x140: {  	[hbm4b:s17+s2] =	stream.linear.scatter [tilespmem:s23], [sflag:$0x2], $0x7D00, $0x38;
	[tilespmem:$0x1F600] =	vst v63  }
0x141: {  	_ =	swait.ge [sflag:s29], $0x7D00  }
0x142: {  	[sflag:s29] =	ssyncset.done $0x0  }
0x143: {  	[sflag:s29] =	ssyncadd.s32 $0xFFFF8300  }
0x144: {  	v4 =	vld [tilespmem:$0x1F540];
	_ =	sdelay $0x4  }
0x145: {  	v4 =	vmin.u32 v4, $0x3E7  }
0x146: {  	v4 =	vadd.s32 v0, v4;
	_ =	sdelay $0x4  }
0x147: {  	[tilespmem:v4+s24+$0x0] =	vst.idx.msk $0xffff, v1  }
0x148: {  	v4 =	vld [tilespmem:$0x1F550];
	_ =	sdelay $0x4  }
0x149: {  	v4 =	vmin.u32 v4, $0x3E7  }
0x14a: {  	v4 =	vadd.s32 v3, v4;
	_ =	sdelay $0x4  }
0x14b: {  	[tilespmem:v4+s24+$0x0] =	vst.idx.msk $0xffff, v1  }
0x14c: {  	v4 =	vld [tilespmem:$0x1F5C0];
	_ =	sdelay $0x4  }
0x14d: {  	v4 =	vmin.u32 v4, $0x3E7  }
0x14e: {  	v4 =	vadd.s32 v0, v4;
	_ =	sdelay $0x4  }
0x14f: {  	[tilespmem:v4+s24+$0x0] =	vst.idx.msk $0xffff, v2  }
0x150: {  	v4 =	vld [tilespmem:$0x1F5D0];
	_ =	sdelay $0x4  }
0x151: {  	v4 =	vmin.u32 v4, $0x3E7  }
0x152: {  	v4 =	vadd.s32 v3, v4;
	_ =	sdelay $0x4  }
0x153: {  	[tilespmem:v4+s24+$0x0] =	vst.idx.msk $0xffff, v2  }
0x154: {  	[hbm4b:s18+s2] =	stream.linear.scatter [tilespmem:s24], [sflag:$0x3], $0x7D00, $0x38;
	[tilespmem:$0x1F600] =	vst v63  }
0x155: {  	_ =	swait.ge [sflag:s30], $0x7D00  }
0x156: {  	[sflag:s30] =	ssyncset.done $0x0  }
0x157: {  	[sflag:s30] =	ssyncadd.s32 $0xFFFF8300  }
0x158: {  	v4 =	vld [tilespmem:$0x1F560];
	_ =	sdelay $0x4  }
0x159: {  	v4 =	vmin.u32 v4, $0x3E7  }
0x15a: {  	v4 =	vadd.s32 v0, v4;
	_ =	sdelay $0x4  }
0x15b: {  	[tilespmem:v4+s25+$0x0] =	vst.idx.msk $0xffff, v1  }
0x15c: {  	v4 =	vld [tilespmem:$0x1F570];
	_ =	sdelay $0x4  }
0x15d: {  	v4 =	vmin.u32 v4, $0x3E7  }
0x15e: {  	v4 =	vadd.s32 v3, v4;
	_ =	sdelay $0x4  }
0x15f: {  	[tilespmem:v4+s25+$0x0] =	vst.idx.msk $0xffff, v1  }
0x160: {  	v4 =	vld [tilespmem:$0x1F5E0];
	_ =	sdelay $0x4  }
0x161: {  	v4 =	vmin.u32 v4, $0x3E7  }
0x162: {  	v4 =	vadd.s32 v0, v4;
	_ =	sdelay $0x4  }
0x163: {  	[tilespmem:v4+s25+$0x0] =	vst.idx.msk $0xffff, v2  }
0x164: {  	v4 =	vld [tilespmem:$0x1F5F0];
	_ =	sdelay $0x4  }
0x165: {  	v4 =	vmin.u32 v4, $0x3E7  }
0x166: {  	v4 =	vadd.s32 v3, v4;
	_ =	sdelay $0x4  }
0x167: {  	[tilespmem:v4+s25+$0x0] =	vst.idx.msk $0xffff, v2  }
0x168: {  	[hbm4b:s19+s2] =	stream.linear.scatter [tilespmem:s25], [sflag:$0x4], $0x7D00, $0x38;
	[tilespmem:$0x1F600] =	vst v63  }
0x169: {  	_ =	swait.ge [sflag:s26], $0x7D00  }
0x16a: {  	[sflag:s26] =	ssyncset.done $0x0  }
0x16b: {  	[sflag:s26] =	ssyncadd.s32 $0xFFFF8300  }
0x16c: {  	_ =	swait.ge [sflag:s28], $0x7D00  }
0x16d: {  	[sflag:s28] =	ssyncset.done $0x0  }
0x16e: {  	s31 =	sadd.s32 $0x1, s31;
	[sflag:s28] =	ssyncadd.s32 $0xFFFF8300  }
0x16f: {  	p0 =	sne.s32 s31, s20;
	_ =	swait.ge [sflag:s29], $0x7D00  }
.Ltmp4:
0x170: {  	[sflag:s29] =	ssyncset.done $0x0;
	(pc) =	sbr.rel @p0 .LBB2_1-.Ltmp4, $4  }
0x171: {  	[sflag:s29] =	ssyncadd.s32 $0xFFFF8300  }
0x172: {  	_ =	swait.ge [sflag:s30], $0x7D00  }
0x173: {  	[sflag:s30] =	ssyncset.done $0x0  }
0x174: {  	[sflag:s30] =	ssyncadd.s32 $0xFFFF8300  }
0x175: {  	_ =	sfence.sel $0x180000  }
0x176: {  	[bflag:$0x0] =	sbarrier.arrive $0xFFFF  }
0x177: {  	_ =	strace $0x90000047  }
0x178: {  	s0 =	stileid.u32;
	[bflag:$0x2] =	sbarrier.arrive $0xFFFF  }
0x179: {  	p0 =	sne.s32 s0, $0x0;
	s0 =	rddreg [dreg:$0x2]  }
0x17a: {  	s0 =	sadd.s32 @!p0 $0x100000, s0  }
0x17b: {  	[sflag:s0] =	ssyncadd.tile.s32 @!p0 $0x1;
	_ =	shalt  }
.Lfunc_end2:
_tile_overlayer_lowered:
.L_overlay_start_2:
0x17c: {  	(tag) =	ssettag $0x2  }
0x17d: {  	s0 =	rddreg [dreg:$0x0];
	s2 =	stileid.u32  }
0x17e: {  	s1 =	rddreg [dreg:$0x1];
	p0 =	sne.s32 s2, $0x0  }
0x17f: {  	s3 =	rddreg [dreg:$0x2];
	[bflag:$0x3] =	sbarrier.arrive $0xFFFF;
	s2 =	simm.s32 @!p0 $0x1C05  }
0x180: {  	[timem:s3], [sflag:s2] =	dma.local @!p0 [hbm:s0], s1  }
0x181: {  	s0 =	simm.s32 @!p0 $0x5  }
0x182: {  	_ =	swait.ge @!p0 [sflag:s0], s1  }
0x183: {  	s1 =	ssub.s32 @!p0 $0x0, s1;
	[sflag:s0] =	ssyncset.done @!p0 $0x0  }
0x184: {  	[sflag:s0] =	ssyncadd.s32 @!p0 s1  }
0x185: {  	[bflag:$0x3] =	sbarrier.arrive $0xFFFF  }
0x186: {  	_ =	shalt  }

// kernel: sparse-core-data-format-call.cloned.1.call-start
scs
called_computation_lowered:
.L_overlay_start_0:
0x0: {  	s2 =	sld [smem:$0x3FD9]  }
0x1: {  	s3 =	sld [smem:$0x3FFE];
	_ =	sdelay $0x1  }
0x2: {  	s1 =	srdreg.scid  }
0x3: {  	s0 =	sand.u32 $0x1, s1  }
0x4: {  	s18 =	sshll.u32 s0, $0xA;
	s2 =	sadd.s32 s3, s2  }
0x5: {  	s2 =	sadd.s32 s2, s18  }
0x6: {  	[smem:$0x3FC7] =	sst s2  }
0x7: {  	_ = 	snop  }
0x8: {  	s2 =	sld [smem:$0x3FD0];
	(tm) =	ssettm $0x1  }
0x9: {  	s19 =	sld [smem:$0x3FFB];
	_ =	sdelay $0x3  }
0xa: {  	_ =	strace s19  }
0xb: {  	s3 =	sld [smem:$0x3FFC];
	_ =	sdelay $0x3  }
0xc: {  	_ =	strace s3  }
0xd: {  	s3 =	sld [smem:$0x3FFD];
	_ =	sdelay $0x3  }
0xe: {  	_ =	strace s3  }
0xf: {  	_ =	strace $0x8FFFFFFF  }
0x10: {  	s20 =	sld [smem:$0x3FDB];
	_ =	sdelay $0x1  }
0x11: {  	s4 =	simm.s32 $_scs_section_size  }
0x12: {  	s5 =	simm.s32 $_size__tile_overlayer_lowered;
	s6 =	simm.s32 $_tile_overlayer_lowered  }
0x13: {  	s23 =	simm.s32 $0x1BFF;
	s22 =	sshll.u32 s6, $0x1;
	s3 =	sadd.s32 s4, s20  }
0x14: {  	s7 =	simm.s32 $0x0;
	s21 =	sshll.u32 s5, $0x1;
	s5 =	sadd.s32 s22, s3  }
0x15: {  	[timem:s7], [sflag:s23] =	dma.local [hbm:s5], s21  }
0x16: {  	_ =	swait.ge [sflag:s23], s21  }
0x17: {  	s4 =	ssub.s32 $0x0, s21;
	[sflag:s23] =	ssyncset.done $0x0  }
0x18: {  	[sflag:s23] =	ssyncadd.s32 s4;
	_ =	sdelay $0x1  }
0x19: {  	s24 =	simm.s32 $0x1B8B  }
0x1a: {  	_ =	swait.ge [sflag:s24], $0x1  }
0x1b: {  	[sflag:s24] =	ssyncset.done $0x0  }
0x1c: {  	s26 =	simm.s32 $0x1B8E;
	s25 =	sld [smem:$0x3FFE];
	[sflag:s24] =	ssyncadd.s32 $0xFFFFFFFF  }
0x1d: {  	s27 =	simm.s32 $execute0_lowered;
	[smem:$0x3FD2] =	sst s26  }
0x1e: {  	s5 =	sshll.u32 s27, $0x1;
	_ =	strace $0x80000049;
	[dreg:$0x1] =	wrdreg $0xFFFFFFFF  }
0x1f: {  	s28 =	simm.s32 $_size_execute0_lowered;
	s3 =	sadd.s32 s3, s5;
	[dreg:$0x0] =	wrdreg $0x0  }
0x20: {  	s5 =	sshll.u32 s28, $0x1;
	[dreg:$0x2] =	wrdreg s3  }
0x21: {  	[dreg:$0x3] =	wrdreg s5  }
0x22: {  	[dreg:$0x4] =	wrdreg $0xC0  }
0x23: {  	_ =	task [dreg:s7], $0x5FFFF  }
0x24: {  	[dreg:$0x1] =	wrdreg $0xFFFFFFFF  }
0x25: {  	[dreg:$0x0] =	wrdreg $0x60  }
0x26: {  	[dreg:$0x2] =	wrdreg s25  }
0x27: {  	[dreg:$0x3] =	wrdreg s2  }
0x28: {  	[dreg:$0x4] =	wrdreg $0x9  }
0x29: {  	_ =	task.clear_ibuf [dreg:s7], $0x5FFFF;
	_ =	strace $0x90000049  }
0x2a: {  	s29 =	simm.s32 $0x9;
	_ =	strace $0x8000004B  }
0x2b: {  	_ =	swait.ge [sflag:s29], $0x1  }
0x2c: {  	[sflag:s29] =	ssyncadd.s32 $0xFFFFFFFF  }
0x2d: {  	_ =	strace $0x9000004B  }
0x2e: {  	_ =	sfence  }
0x2f: {  	s30 =	sld [smem:$0x0];
	_ =	sdelay $0x2  }
0x30: {  	s31 =	sshll.u32 s1, $0xD;
	s1 =	sshrl.u32 s1, $0x2  }
0x31: {  	s3 =	sand.u32 $0x4000, s31;
	s1 =	sadd.s32 s1, s30  }
0x32: {  	s0 =	sor.u32 s3, s0;
	s1 =	sshll.u32 s1, $0x11  }
0x33: {  	s0 =	sor.u32 s1, s0  }
0x34: {  	s0 =	sadd.s32 $0x8F2B, s0  }
0x35: {  	[sflag:s0] =	ssyncadd.remote.s32 $0x1  }
0x36: {  	_ =	sfence.sel $0xFFFF  }
0x37: {  	[dreg:$0x0] =	wrdreg $0xFFFFFFFF;
	(pc) =	sbr.abs _section_cstart, $3  }
0x38: {  	[dreg:$0x1] =	wrdreg $0xFFFFFFFF  }
0x39: {  	_ =	task.clear_ibuf [dreg:s7], $0x2FFFF;
	_ =	strace $0x9FFFFFFF  }
0x3a: {  	(tm) =	ssettm $0x7FFFFFFF  }
0x3b: {  	_ =	shalt  }
tec
execute0_lowered:
.L_overlay_start_1:
0x0: {  	(tag) =	ssettag $0x1  }
0x1: {  	s0 =	srdreg.scid;
	s5 =	rddreg [dreg:$0x0]  }
0x2: {  	s3 =	rddreg [dreg:$0x1];
	s1 =	sshll.u32 s0, $0x4  }
0x3: {  	s7 =	simm.s32 $0x1;
	s0 =	stileid.u32;
	s1 =	sand.u32 $0x10, s1  }
0x4: {  	s8 =	simm.s32 $0x2;
	s15 =	simm.s32 $0x0;
	s1 =	sor.u32 s0, s1  }
0x5: {  	s14 =	simm.s32 $0x0;
	s9 =	simm.s32 $0x0;
	s2 =	sshll.u32 s1, $0x7  }
0x6: {  	s10 =	simm.s32 $0x0;
	s11 =	simm.s32 $0x0;
	s6 =	ssub.s32 $0x4000, s2  }
0x7: {  	s13 =	simm.s32 $0x0;
	s5 =	sadd.s32 $0x800, s5;
	s4 =	sand.u32 $0xF80, s6  }
.Ltmp0:
0x8: {  	s1 =	rddreg [dreg:$0x2];
	p0 =	sne.s32 s4, $0x0;
	(pc) =	sbr.rel .LBB1_1-.Ltmp0, $4  }
0x9: {  	_ =	strace $0x8000004A;
	s6 =	sshrl.u32 s6, $0xC;
	s7 =	simm.s32 @!p0 $0x0  }
0xa: {  	s12 =	smov.u32 s2;
	s4 =	simm.s32 $0x1;
	s6 =	sadd.s32 s7, s6  }
0xb: {  	[sflag:s4] =	ssyncpa.u1 $0x0;
	p0 =	por $0x0, $0x0;
	s6 =	sshll.u32 s6, $0x3  }
0xc: {  	[sflag:s8] =	ssyncpa.u1 $0x0;
	s8 =	simm.s32 $0x20000;
	s7 =	sor.u32 $0x1, s6  }
.LBB1_4:
0xd: {  	s20 =	sshra.s32 s20, $0x2  }
0xe: {  	s28 =	sand.u32 $0x78, s10;
	s21 =	sshll.u32 s9, $0xE;
	s22 =	sshll.u32 s10, $0x3  }
0xf: {  	s24 =	sshll.u32 s9, $0x7;
	p1 =	sgt.s32 s9, $0x368;
	s30 =	sshra.s32 s9, $0x1F  }
0x10: {  	s26 =	sshra.s32 s10, $0x1F;
	s19 =	sadd.s32 s20, s19;
	s21 =	sand.u32 $0xFFFE0000, s21  }
0x11: {  	v5 =	vld [tilespmem:s17+$0xFFFFFFD0];
	[tilespmem:s18+$0x2040 ss:$0x81] =	vst.msk $0xffff, v4;
	s23 =	sand.u32 $0xFFFFFC00, s22;
	s29 =	sand.u32 $0x380, s24;
	s22 =	sand.u32 $0x3C00, s22  }
0x12: {  	v58 =	vld [tilespmem:s17+$0xFFFFFFE0];
	[tilespmem:s18+$0x2850 ss:$0x81] =	vst.msk $0xffff, v3;
	s21 =	sadd.s32 s23, s21;
	s20 =	sor.u32 s28, s22;
	s22 =	smov.u32 s9  }
0x13: {  	v59 =	vld [tilespmem:s17+$0xFFFFFFF0];
	[tilespmem:s18+$0x3060 ss:$0x81] =	vst.msk $0xffff, v2;
	s24 =	sand.u32 s30, s9;
	s21 =	sshrl.u32 s21, $0xE;
	s22 =	simm.s32 @!p1 $0x368  }
0x14: {  	v60 =	vld [tilespmem:s17+$0x0];
	[tilespmem:s18+$0x0 ss:$0x81] =	vst.msk $0xffff, v1;
	p1 =	sgt.s32 s10, $0x3F80;
	s31 =	ssub.s32 s22, s24;
	s22 =	smov.u32 s10  }
0x15: {  	v61 =	vld [tilespmem:s17+$0x10];
	[tilespmem:s19+$0x3870 ss:$0x81] =	vst.msk $0xffff, v0;
	s25 =	smulhi.u32 $0x418938, s21;
	s24 =	sand.u32 s26, s10;
	s22 =	simm.s32 @!p1 $0x3F80  }
0x16: {  	v62 =	vld [tilespmem:s17+$0x20];
	s20 =	sor.u32 s29, s20;
	[tilespmem:s19+$0x810 ss:$0x81] =	vst.msk $0xffff, v5;
	s27 =	sadd.s32 $0xFFFFFC98, s31;
	s22 =	ssub.s32 s22, s24  }
0x17: {  	v63 =	vld [tilespmem:s17+$0xFFFFFFC0];
	[tilespmem:s19+$0x1020 ss:$0x81] =	vst.msk $0xffff, v58;
	s18 =	ssub.s32 $0x3E8, s31;
	s28 =	smul.u32 $0x3E8, s25;
	s29 =	sadd.s32 $0xFFFFC080, s22  }
0x18: {  	[tilespmem:s19+$0x1830 ss:$0x81] =	vst.msk $0xffff, v59;
	p1 =	sgt.s32 s27, $0x7F;
	s22 =	ssub.s32 $0x4000, s22;
	p2 =	sgt.s32 s29, $0x7F  }
0x19: {  	s30 =	sand.u32 $0x7, s10;
	[tilespmem:s19+$0x2040 ss:$0x81] =	vst.msk $0xffff, v60;
	s18 =	simm.s32 @p1 $0x0;
	s22 =	simm.s32 @p2 $0x0  }
0x1a: {  	s20 =	sshrl.u32 s20, $0x3;
	[tilespmem:s19+$0x2850 ss:$0x81] =	vst.msk $0xffff, v61;
	s17 =	ssub.s32 s21, s28;
	s18 =	smul.u32 s22, s18  }
0x1b: {  	[tilespmem:s19+$0x3060 ss:$0x81] =	vst.msk $0xffff, v62;
	s20 =	sadd.s32 s3, s20;
	s21 =	sshll.u32 s30, $0x12;
	s17 =	sshll.u32 s17, $0xB  }
0x1c: {  	[tilespmem:s19+$0x0 ss:$0x81] =	vst.msk $0xffff, v63;
	s31 =	sor.u32 $0x400, s21;
	s17 =	sadd.s32 s17, s20;
	s18 =	sand.u32 $0x3FFFFFFF, s18  }
0x1d: {  	[hbm4b:s17+s31] =	stream.strided.scatter [tilespmem:s16], [sflag:$0x2], s18, s8, s31, $0x20;
	[tilespmem:$0x10100] =	vst v63  }
.LBB1_5:
0x1e: {  	p1 =	slt.u32 s13, $0x2  }
0x1f: {  	s17 =	smov.u32 s15;
	p2 =	sgt.s32 @!p1 s15, $0x368;
	s16 =	sshra.s32 @!p1 s15, $0x1F  }
0x20: {  	p3 =	sgt.s32 @!p1 s14, $0x3F80;
	s18 =	sshra.s32 @!p1 s14, $0x1F;
	p2 =	por !p2, p1  }
0x21: {  	s15 =	sand.u32 @!p1 s16, s15;
	p3 =	por !p3, p1;
	s16 =	smov.u32 s14  }
0x22: {  	s14 =	sand.u32 @!p1 s18, s14;
	s17 =	simm.s32 @p2 $0x368;
	s16 =	simm.s32 @p3 $0x3F80  }
0x23: {  	s15 =	ssub.s32 @!p1 s17, s15;
	s14 =	ssub.s32 @!p1 s16, s14  }
0x24: {  	s18 =	smov.u32 s12;
	s16 =	sadd.s32 @!p1 $0xFFFFFC98, s15;
	s17 =	sadd.s32 @!p1 $0xFFFFC080, s14  }
0x25: {  	s15 =	ssub.s32 @!p1 $0x3E8, s15;
	p2 =	sgt.s32 @!p1 s16, $0x7F;
	p3 =	sgt.s32 @!p1 s17, $0x7F  }
0x26: {  	s14 =	ssub.s32 @!p1 $0x4000, s14;
	p2 =	por !p2, p1;
	p3 =	por !p3, p1  }
0x27: {  	s16 =	sadd.s32 $0x80, s11;
	s15 =	simm.s32 @!p2 $0x0;
	s14 =	simm.s32 @!p3 $0x0  }
0x28: {  	p2 =	sgt.s32 s16, $0x3E7;
	s14 =	smul.u32 @!p1 s14, s15;
	s15 =	sadd.s32 $0x1000, s12  }
0x29: {  	s18 =	smov.u32 @p2 s15  }
0x2a: {  	s16 =	simm.s32 @p2 $0x0;
	p2 =	sgt.s32 s18, $0x3FFF  }
0x2b: {  	s18 =	smov.u32 @p2 s2;
	p2 =	sne.s32 s13, s7  }
.Ltmp1:
0x2c: {  	p0 =	por !p0, !p0;
	s17 =	simm.s32 @!p1 $0x2;
	(pc) =	sbr.rel @!p2 .LBB1_6-.Ltmp1, $4  }
0x2d: {  	s15 =	smov.u32 s9;
	s9 =	smov.u32 s11;
	s14 =	sand.u32 @!p1 $0x3FFFFFFF, s14  }
0x2e: {  	s11 =	smov.u32 s16;
	_ =	swait.ge @!p1 [sflag:s17], s14;
	s19 =	ssub.s32 @!p1 $0x0, s14  }
0x2f: {  	s14 =	smov.u32 s10;
	s13 =	sadd.s32 $0x1, s13;
	[sflag:s17] =	ssyncset.done @!p1 $0x0  }
0x30: {  	s10 =	smov.u32 s12;
	s12 =	smov.u32 s18;
	[sflag:s17] =	ssyncadd.s32 @!p1 s19  }
.LBB1_1:
0x31: {  	p1 =	sge.u32 s13, s6  }
0x32: {  	s31 =	sadd.s32 $0xFFFFFFFF, s13;
	s16 =	sshll.u32 @!p1 s12, $0xA  }
0x33: {  	s17 =	sshll.u32 @!p1 s11, $0x3;
	s18 =	sshll.u32 @!p1 s12, $0x7;
	s16 =	sand.u32 @!p1 $0xFFE000, s16  }
0x34: {  	s19 =	sand.u32 @!p1 $0x78, s11;
	s16 =	sadd.s32 @!p1 s16, s17;
	s17 =	sand.u32 @!p1 $0x380, s18  }
0x35: {  	s18 =	sxor.u32 @!p1 $0xFFFFFFFF, s13;
	s16 =	sand.u32 @!p1 $0xFFFC00, s16;
	s17 =	sor.u32 @!p1 s17, s19  }
0x36: {  	s18 =	sshll.u32 @!p1 s18, $0xE;
	s16 =	sor.u32 @!p1 s16, s17;
	s17 =	sand.u32 @!p1 $0x7, s11  }
0x37: {  	s19 =	simm.s32 @!p1 $0x2000;
	s16 =	sshrl.u32 @!p1 s16, $0x3;
	s17 =	sshll.u32 @!p1 s17, $0x12  }
0x38: {  	s18 =	sand.u32 @!p1 $0x4000, s18;
	s16 =	sadd.s32 @!p1 s5, s16;
	s17 =	sor.u32 @!p1 $0x400, s17  }
0x39: {  	[tilespmem:s18], [sflag:$0x1] =	stream.strided.gather @!p1 [hbm4b:s16+s17], $0x4000, s19, s17, $0x38;
	[tilespmem:$0x10100] =	vst v63  }
0x3a: {  	p1 =	sge.u32 s31, s6  }
.Ltmp2:
0x3b: {  	_ = 	snop;
	(pc) =	sbr.rel @p1 .LBB1_5-.Ltmp2, $1  }
0x3c: {  	_ =	sdelay $0x3  }
0x3d: {  	s16 =	simm.s32 $0x1  }
0x3e: {  	_ =	swait.ge [sflag:s4], $0x4000;
	s16 =	simm.s32 @!p0 $0x0  }
0x3f: {  	[sflag:s4] =	ssyncset.done $0x0;
	s17 =	sshll.u32 s16, $0xE  }
0x40: {  	[sflag:s4] =	ssyncadd.s32 $0xFFFFC000;
	s17 =	sor.u32 $0x40, s17  }
0x41: {  	s16 =	smul.u32 $0x10200, s16;
	v0 =	vld [tilespmem:s17+$0x30]  }
0x42: {  	v1 =	vld [tilespmem:s17+$0xFFFFFFD0]  }
0x43: {  	s16 =	sshrl.u32 s16, $0x2;
	v5 =	vld [tilespmem:s17+$0xFFFFFFE0]  }
0x44: {  	v6 =	vld [tilespmem:s17+$0xFFFFFFF0];
	s19 =	sor.u32 $0x8000, s16  }
0x45: {  	s31 =	sand.u32 $0x1, s13;
	v4 =	vld [tilespmem:s17+$0x0];
	s18 =	sadd.s32 $0x0, s19  }
0x46: {  	v3 =	vld [tilespmem:s17+$0x10];
	s16 =	smul.u32 $0x10200, s31;
	[tilespmem:s18+$0x3870 ss:$0x81] =	vst.msk $0xffff, v0  }
0x47: {  	v2 =	vld [tilespmem:s17+$0x20];
	[tilespmem:s18+$0x810 ss:$0x81] =	vst.msk $0xffff, v1  }
0x48: {  	s16 =	sshrl.u32 s16, $0x2;
	v1 =	vld [tilespmem:s17+$0xFFFFFFC0];
	[tilespmem:s18+$0x1020 ss:$0x81] =	vst.msk $0xffff, v5;
	s17 =	sadd.s32 $0x80, s17  }
0x49: {  	s20 =	simm.s32 $0x4;
	s21 =	simm.s32 $0x8;
	s16 =	sor.u32 $0x8000, s16;
	[tilespmem:s18+$0x1830 ss:$0x81] =	vst.msk $0xffff, v6;
	v0 =	vld [tilespmem:s17+$0x30]  }
.LBB1_3:
0x4a: {  	p1 =	sne.s32 s21, $0x1FC;
	v5 =	vld [tilespmem:s17+$0xFFFFFFD0];
	[tilespmem:s18+$0x2040 ss:$0x81] =	vst.msk $0xffff, v4  }
0x4b: {  	v6 =	vld [tilespmem:s17+$0xFFFFFFE0];
	[tilespmem:s18+$0x2850 ss:$0x81] =	vst.msk $0xffff, v3  }
0x4c: {  	s22 =	sshra.s32 s20, $0x2;
	s20 =	smov.u32 s21;
	v7 =	vld [tilespmem:s17+$0xFFFFFFF0];
	[tilespmem:s18+$0x3060 ss:$0x81] =	vst.msk $0xffff, v2  }
.Ltmp3:
0x4d: {  	v4 =	vld [tilespmem:s17+$0x0];
	[tilespmem:s18+$0x0 ss:$0x81] =	vst.msk $0xffff, v1;
	s18 =	sadd.s32 s22, s19;
	(pc) =	sbr.rel @p1 .LBB1_3-.Ltmp3, $4  }
0x4e: {  	v3 =	vld [tilespmem:s17+$0x10];
	[tilespmem:s18+$0x3870 ss:$0x81] =	vst.msk $0xffff, v0  }
0x4f: {  	[tilespmem:s18+$0x810 ss:$0x81] =	vst.msk $0xffff, v5;
	v2 =	vld [tilespmem:s17+$0x20]  }
0x50: {  	v1 =	vld [tilespmem:s17+$0xFFFFFFC0];
	[tilespmem:s18+$0x1020 ss:$0x81] =	vst.msk $0xffff, v6;
	s17 =	sadd.s32 $0x80, s17  }
0x51: {  	s21 =	sadd.s32 $0x4, s21;
	v0 =	vld [tilespmem:s17+$0x30];
	[tilespmem:s18+$0x1830 ss:$0x81] =	vst.msk $0xffff, v7  }
.Ltmp4:
0x52: {  	_ = 	snop;
	(pc) =	sbr.rel .LBB1_4-.Ltmp4, $1  }
0x53: {  	_ =	sdelay $0x3  }
.LBB1_6:
0x54: {  	_ =	sfence.sel $0x180000  }
0x55: {  	s2 =	simm.s32 $0x1;
	[bflag:$0x0] =	sbarrier.arrive $0xFFFF  }
0x56: {  	s31 =	simm.s32 $0x2;
	[sflag:s2] =	ssyncpa.u1 $0x1  }
0x57: {  	[sflag:s31] =	ssyncpa.u1 $0x1  }
0x58: {  	p0 =	sne.s32 s0, $0x0;
	_ =	strace $0x9000004A  }
0x59: {  	s0 =	sadd.s32 @!p0 $0x100000, s1;
	[bflag:$0x2] =	sbarrier.arrive $0xFFFF  }
0x5a: {  	[sflag:s0] =	ssyncadd.tile.s32 @!p0 $0x1;
	_ =	shalt  }
.Lfunc_end1:
_tile_overlayer_lowered:
.L_overlay_start_2:
0x5b: {  	(tag) =	ssettag $0x2  }
0x5c: {  	s0 =	rddreg [dreg:$0x0];
	s2 =	stileid.u32  }
0x5d: {  	s1 =	rddreg [dreg:$0x1];
	p0 =	sne.s32 s2, $0x0  }
0x5e: {  	s3 =	rddreg [dreg:$0x2];
	[bflag:$0x3] =	sbarrier.arrive $0xFFFF;
	s2 =	simm.s32 @!p0 $0x1C01  }
0x5f: {  	[timem:s3], [sflag:s2] =	dma.local @!p0 [hbm:s0], s1  }
0x60: {  	s0 =	simm.s32 @!p0 $0x1  }
0x61: {  	_ =	swait.ge @!p0 [sflag:s0], s1  }
0x62: {  	s1 =	ssub.s32 @!p0 $0x0, s1;
	[sflag:s0] =	ssyncset.done @!p0 $0x0  }
0x63: {  	[sflag:s0] =	ssyncadd.s32 @!p0 s1  }
0x64: {  	[bflag:$0x3] =	sbarrier.arrive $0xFFFF  }
0x65: {  	_ =	shalt  }

</sc_bundles>
